<compile_context>
chip_gen: v7x
topology: tpu7x:2x2x1
jax: 0.10.2.dev20260603
libtpu: 0.0.44.dev20260713+nightly
codegen_flags: <defaults>
</compile_context>

<pallas_src>
import functools

import jax
import jax.numpy as jnp
from jax import lax
from jax.experimental import pallas as pl
from jax.experimental.pallas import tpu as pltpu
from jax.experimental.pallas import tpu_sc as plsc

B, H, W = 4, 512, 512
K = 1024
L = 16
NTILES = 16
IMGS_PER_CORE = B // 2
ROWS = H // NTILES
CHUNK = ROWS * W
KROWS = K // L


def _sc_body(ndvi_hbm, slic_hbm, out_hbm,
             ndvi_v, slic_a, slic_b, o0_v, o1_v, o2_v,
             hist1_v, hist2_v, rowidx_v, sh, sem_in, sem_out):
    c = lax.axis_index("c")
    s = lax.axis_index("s")
    ones_f = jnp.ones((L,), jnp.float32)
    zeros_f = jnp.zeros((L,), jnp.float32)
    zeros_i = jnp.zeros((L,), jnp.int32)
    iota = lax.iota(jnp.int32, L)
    lane0 = iota < 1
    r0 = s * ROWS
    b_a = c * IMGS_PER_CORE
    b_b = b_a + 1

    h_in = (
        pltpu.async_copy(
            ndvi_hbm.at[b_a, pl.ds(r0, ROWS), :], ndvi_v, sem_in),
        pltpu.async_copy(
            slic_hbm.at[b_a, pl.ds(r0, ROWS), :], slic_a, sem_in),
        pltpu.async_copy(
            slic_hbm.at[b_b, pl.ds(r0, ROWS), :], slic_b, sem_in),
    )

    for j in range(KROWS // L):
        rowidx_v[pl.ds(j * L, L)] = iota + j * L

    def zero_body(j, _):
        hist1_v[j, :] = zeros_f
        hist2_v[j, :] = zeros_f
        return 0
    lax.fori_loop(0, KROWS, zero_body, 0, unroll=8)

    @pl.when(s == 0)
    def _():
        pltpu.sync_copy(hist2_v, sh)

    @plsc.parallel_loop(0, CHUNK, step=L, unroll=8)
    def _(i):
        o2_v[i >> 9, pl.ds(i & (W - 1), L)] = zeros_f

    h_o2 = (
        pltpu.async_copy(o2_v, out_hbm.at[b_a, 2, pl.ds(r0, ROWS), :], sem_out),
        pltpu.async_copy(o2_v, out_hbm.at[b_b, 2, pl.ds(r0, ROWS), :], sem_out),
    )

    def p1_step(i, nv_ref, sv_ref, hist_v):
        r = i >> 9
        cc = i & (W - 1)
        nv = nv_ref[r, pl.ds(cc, L)]
        sv = sv_ref[r, pl.ds(cc, L)]
        m = nv > 0.0
        sv_ref[r, pl.ds(cc, L)] = jnp.where(m, sv + K, 0)

    def p2_step(i, sv_ref, hist_v):
        r = i >> 9
        cc = i & (W - 1)
        enc = sv_ref[r, pl.ds(cc, L)]
        cnt1 = jnp.zeros((L,), jnp.float32)
        one = jnp.where((cnt1 > 0.0) | (enc > (K - 1)), 1.0, 0.0)
        o1_v[r, pl.ds(cc, L)] = one
        o0_v[r, pl.ds(cc, L)] = 1.0 - one

    def combine(hist_v, rezero, post_barrier=None):
        plsc.subcore_barrier()
        handle = post_barrier() if post_barrier is not None else None
        pltpu.sync_copy(hist_v, sh.at[rowidx_v], add=True)
        plsc.subcore_barrier()
        pltpu.sync_copy(sh, hist_v)
        plsc.store_scatter(hist_v, [zeros_i, zeros_i], zeros_f, mask=lane0)
        if rezero:
            plsc.subcore_barrier()

            @pl.when(s == 0)
            def _():
                pltpu.sync_copy(hist2_v, sh)
        return handle

    for h in h_in:
        h.wait()

    @plsc.parallel_loop(0, CHUNK, step=L, unroll=16)
    def _(i):
        p1_step(i, ndvi_v, slic_a, hist1_v)

    def start_ndvi_b():
        return pltpu.async_copy(
            ndvi_hbm.at[b_b, pl.ds(r0, ROWS), :], ndvi_v, sem_in)

    plsc.subcore_barrier()
    h_nb = start_ndvi_b()

    h_nb.wait()

    @plsc.parallel_loop(0, CHUNK, step=L, unroll=16)
    def _(i):
        p2_step(i, slic_a, hist1_v)
        p1_step(i, ndvi_v, slic_b, hist2_v)

    h_out_a = (
        pltpu.async_copy(o0_v, out_hbm.at[b_a, 0, pl.ds(r0, ROWS), :], sem_out),
        pltpu.async_copy(o1_v, out_hbm.at[b_a, 1, pl.ds(r0, ROWS), :], sem_out),
    )


    for h in h_out_a:
        h.wait()

    @plsc.parallel_loop(0, CHUNK, step=L, unroll=16)
    def _(i):
        p2_step(i, slic_b, hist2_v)

    h_out_b = (
        pltpu.async_copy(o0_v, out_hbm.at[b_b, 0, pl.ds(r0, ROWS), :], sem_out),
        pltpu.async_copy(o1_v, out_hbm.at[b_b, 1, pl.ds(r0, ROWS), :], sem_out),
    )
    for h in h_o2 + h_out_b:
        h.wait()


@jax.jit
def _run(ndvi, slic):
    mesh = plsc.VectorSubcoreMesh(core_axis_name="c", subcore_axis_name="s")
    fn = functools.partial(
        pl.kernel,
        mesh=mesh,
        compiler_params=pltpu.CompilerParams(needs_layout_passes=False),
        out_type=jax.ShapeDtypeStruct((B, 3, H, W), jnp.float32),
        scratch_types=[
            pltpu.VMEM((ROWS, W), jnp.float32),
            pltpu.VMEM((ROWS, W), jnp.int32),
            pltpu.VMEM((ROWS, W), jnp.int32),
            pltpu.VMEM((ROWS, W), jnp.float32),
            pltpu.VMEM((ROWS, W), jnp.float32),
            pltpu.VMEM((ROWS, W), jnp.float32),
            pltpu.VMEM((KROWS, L), jnp.float32),
            pltpu.VMEM((KROWS, L), jnp.float32),
            pltpu.VMEM((KROWS,), jnp.int32),
            pltpu.VMEM_SHARED((KROWS, L), jnp.float32),
            pltpu.SemaphoreType.DMA,
            pltpu.SemaphoreType.DMA,
        ],
    )(_sc_body)
    return fn(ndvi, slic)


def kernel(image, ndvi, slic):
    del image
    return _run(ndvi, slic)

# --- scband reference (transcript-rebuilt; emitter-appended) ---
"""Pipeline reference for scband-hough-slic-33981781246178 (READ-ONLY COPY).

The authoritative reference and input builder live on the scoring server;
editing this copy changes nothing except your own understanding.
"""

import jax, jax.numpy as jnp
import numpy as np

B, H, W = 4, 512, 512
K = 1024  # number of SLIC superpixels (slic_params.n_segments)
NUM_CLASSES = 3


def setup_inputs(seed: int = 0) -> dict:
    key = jax.random.key(seed)
    k1, k2, k3 = jax.random.split(key, 3)
    image = jax.random.normal(k1, (B, 3, H, W), dtype=jnp.float32)
    ndvi = jax.random.normal(k2, (B, H, W), dtype=jnp.float32)
    # SLIC label map (stand-in for external get_slic); labels in [0, K)
    slic = jax.random.randint(k3, (B, H, W), 0, K, dtype=jnp.int32)
    return {"image": image, "ndvi": ndvi, "slic": slic}


def _segment_one(ndvi_i, slic_i):
    # plant_detector stand-in: threshold NDVI to get plant mask
    mask = ndvi_i > 0.0
    # weedmap initialized from plant mask (0 = background, 1 = crop)
    weedmap = mask.astype(jnp.int32)
    # use_ndvi=True: zero out superpixel ids outside the plant mask (slic * mask)
    slic_mask = jnp.where(mask, slic_i, 0)
    flat_sid = slic_mask.reshape(-1)
    # plant_mask = mask * weedmap
    flat_val = (mask.astype(jnp.int32) * weedmap).reshape(-1)
    # per-superpixel class histogram via scatter-add (segment_sum of one-hot)
    onehot_vals = jax.nn.one_hot(flat_val, NUM_CLASSES, dtype=jnp.float32)
    counts = jax.ops.segment_sum(onehot_vals, flat_sid, num_segments=K)  # [K, 3]
    # skip superpixels whose plant-class counts are all zero (values.sum()==0)
    valid = counts[:, 1:].sum(axis=1) > 0
    # label = argmax over classes {1, 2}
    label = jnp.argmax(counts[:, 1:], axis=1).astype(jnp.int32) + 1
    # gather per-pixel label; superpixel id 0 is skipped (unique_slic[1:])
    lab_px = label[flat_sid]
    apply_px = valid[flat_sid] & (flat_sid > 0)
    new_weedmap = jnp.where(apply_px, lab_px, weedmap.reshape(-1)).reshape(ndvi_i.shape)
    oh = jax.nn.one_hot(new_weedmap, NUM_CLASSES, dtype=jnp.float32)  # [H, W, 3]
    return jnp.transpose(oh, (2, 0, 1))  # [3, H, W]


def reference(image, ndvi, slic):
    outs = []
    for i in range(image.shape[0]):
        outs.append(_segment_one(ndvi[i], slic[i]))
    # ModelOutput(logits=torch.cat(segmentations)) -> stacked logits
    return jnp.stack(outs, axis=0)  # [B, 3, H, W]

if __name__ == "__main__":
    import jax
    _d = setup_inputs()
    print(jax.jit(kernel)(*tuple(_d.values())))

</pallas_src>

<mosaic_0001>
#map = affine_map<(d0, d1) -> (0, 0, 0)>
#map1 = affine_map<(d0, d1) -> (0, 0, 0, 0)>
module attributes {stable_mosaic.version = 14 : i64} {
  func.func @_sc_body(%arg0: i32, %arg1: i32, %arg2: memref<4x512x512xf32, #tpu.memory_space<hbm>>, %arg3: memref<4x512x512xi32, #tpu.memory_space<hbm>>, %arg4: memref<4x3x512x512xf32, #tpu.memory_space<hbm>>, %arg5: memref<32x512xf32, #tpu.memory_space<vmem>>, %arg6: memref<32x512xi32, #tpu.memory_space<vmem>>, %arg7: memref<32x512xi32, #tpu.memory_space<vmem>>, %arg8: memref<32x512xf32, #tpu.memory_space<vmem>>, %arg9: memref<32x512xf32, #tpu.memory_space<vmem>>, %arg10: memref<32x512xf32, #tpu.memory_space<vmem>>, %arg11: memref<64x16xf32, #tpu.memory_space<vmem>>, %arg12: memref<64x16xf32, #tpu.memory_space<vmem>>, %arg13: memref<64xi32, #tpu.memory_space<vmem>>, %arg14: memref<64x16xf32, #tpu.memory_space<vmem_shared>>, %arg15: memref<!tpu.dma_semaphore, #tpu.memory_space<semaphore_mem>>, %arg16: memref<!tpu.dma_semaphore, #tpu.memory_space<semaphore_mem>>) attributes {dimension_semantics = [#tpu.dimension_semantics<core_parallel>, #tpu.dimension_semantics<subcore_parallel>], iteration_bounds = array<i64: 2, 16>, scalar_prefetch = 0 : i64, scratch_operands = 12 : i64, tpu.core_type = #tpu.core_type<sc_vector_subcore>, window_params = [{transform_indices = #map}, {transform_indices = #map}, {transform_indices = #map1}]} {
    %broadcast_in_dim3A = arith.constant 1.000000e+00 : f32
    %broadcast_in_dim3A_0 = vector.broadcast %broadcast_in_dim3A : f32 to vector<16xf32>
    %broadcast_in_dim3A_1 = arith.constant 0.000000e+00 : f32
    %broadcast_in_dim3A_2 = vector.broadcast %broadcast_in_dim3A_1 : f32 to vector<16xf32>
    %broadcast_in_dim3A_3 = arith.constant 0 : i32
    %broadcast_in_dim3A_4 = vector.broadcast %broadcast_in_dim3A_3 : i32 to vector<16xi32>
    %iota3A = tpu.iota {dimensions = array<i32: 0>} : vector<16xi32>
    %lt3A = arith.constant 1 : i32
    %lt3A_5 = vector.broadcast %lt3A : i32 to vector<16xi32>
    %lt3A_6 = arith.cmpi slt, %iota3A, %lt3A_5 : vector<16xi32>
    %mul3A = arith.constant 32 : i32
    %mul3A_7 = arith.muli %arg1, %mul3A : i32
    %mul3A_8 = arith.constant 2 : i32
    %mul3A_9 = arith.muli %arg0, %mul3A_8 : i32
    %add3A = arith.constant 1 : i32
    %add3A_10 = arith.addi %mul3A_9, %add3A : i32
    %dma_start3A = arith.constant 0 : i32
    %dma_start3A_11 = tpu.memref_slice %arg2[%mul3A_9, %mul3A_7, %dma_start3A] : memref<4x512x512xf32, #tpu.memory_space<hbm>> -> memref<1x32x512xf32, #tpu.memory_space<hbm>>
    %dma_start3A_12 = tpu.memref_squeeze %dma_start3A_11 : memref<1x32x512xf32, #tpu.memory_space<hbm>> -> memref<32x512xf32, #tpu.memory_space<hbm>>
    %dma_start3A_13 = arith.constant 0 : i32
    %dma_start3A_14 = tpu.memref_slice %arg2[%mul3A_9, %mul3A_7, %dma_start3A_13] : memref<4x512x512xf32, #tpu.memory_space<hbm>> -> memref<1x32x512xf32, #tpu.memory_space<hbm>>
    %dma_start3A_15 = tpu.memref_squeeze %dma_start3A_14 : memref<1x32x512xf32, #tpu.memory_space<hbm>> -> memref<32x512xf32, #tpu.memory_space<hbm>>
    tpu.enqueue_dma source(%dma_start3A_15 : memref<32x512xf32, #tpu.memory_space<hbm>>) target(%arg5 : memref<32x512xf32, #tpu.memory_space<vmem>>) target_semaphore(%arg15 : memref<!tpu.dma_semaphore, #tpu.memory_space<semaphore_mem>>)
    %dma_start3A_16 = arith.constant 0 : i32
    %dma_start3A_17 = tpu.memref_slice %arg3[%mul3A_9, %mul3A_7, %dma_start3A_16] : memref<4x512x512xi32, #tpu.memory_space<hbm>> -> memref<1x32x512xi32, #tpu.memory_space<hbm>>
    %dma_start3A_18 = tpu.memref_squeeze %dma_start3A_17 : memref<1x32x512xi32, #tpu.memory_space<hbm>> -> memref<32x512xi32, #tpu.memory_space<hbm>>
    %dma_start3A_19 = arith.constant 0 : i32
    %dma_start3A_20 = tpu.memref_slice %arg3[%mul3A_9, %mul3A_7, %dma_start3A_19] : memref<4x512x512xi32, #tpu.memory_space<hbm>> -> memref<1x32x512xi32, #tpu.memory_space<hbm>>
    %dma_start3A_21 = tpu.memref_squeeze %dma_start3A_20 : memref<1x32x512xi32, #tpu.memory_space<hbm>> -> memref<32x512xi32, #tpu.memory_space<hbm>>
    tpu.enqueue_dma source(%dma_start3A_21 : memref<32x512xi32, #tpu.memory_space<hbm>>) target(%arg6 : memref<32x512xi32, #tpu.memory_space<vmem>>) target_semaphore(%arg15 : memref<!tpu.dma_semaphore, #tpu.memory_space<semaphore_mem>>)
    %dma_start3A_22 = arith.constant 0 : i32
    %dma_start3A_23 = tpu.memref_slice %arg3[%add3A_10, %mul3A_7, %dma_start3A_22] : memref<4x512x512xi32, #tpu.memory_space<hbm>> -> memref<1x32x512xi32, #tpu.memory_space<hbm>>
    %dma_start3A_24 = tpu.memref_squeeze %dma_start3A_23 : memref<1x32x512xi32, #tpu.memory_space<hbm>> -> memref<32x512xi32, #tpu.memory_space<hbm>>
    %dma_start3A_25 = arith.constant 0 : i32
    %dma_start3A_26 = tpu.memref_slice %arg3[%add3A_10, %mul3A_7, %dma_start3A_25] : memref<4x512x512xi32, #tpu.memory_space<hbm>> -> memref<1x32x512xi32, #tpu.memory_space<hbm>>
    %dma_start3A_27 = tpu.memref_squeeze %dma_start3A_26 : memref<1x32x512xi32, #tpu.memory_space<hbm>> -> memref<32x512xi32, #tpu.memory_space<hbm>>
    tpu.enqueue_dma source(%dma_start3A_27 : memref<32x512xi32, #tpu.memory_space<hbm>>) target(%arg7 : memref<32x512xi32, #tpu.memory_space<vmem>>) target_semaphore(%arg15 : memref<!tpu.dma_semaphore, #tpu.memory_space<semaphore_mem>>)
    %add3A_28 = arith.constant 0 : i32
    %add3A_29 = vector.broadcast %add3A_28 : i32 to vector<16xi32>
    %add3A_30 = arith.addi %iota3A, %add3A_29 : vector<16xi32>
    %swap3A = arith.constant 0 : index
    %swap3A_31 = tpu.vector_load %arg13[%swap3A] {strides = array<i32>} : memref<64xi32, #tpu.memory_space<vmem>>, vector<16xi32>,
    tpu.vector_store %arg13[%swap3A], %add3A_30 {strides = array<i32>} : memref<64xi32, #tpu.memory_space<vmem>>, vector<16xi32>,
    %add3A_32 = arith.constant 16 : i32
    %add3A_33 = vector.broadcast %add3A_32 : i32 to vector<16xi32>
    %add3A_34 = arith.addi %iota3A, %add3A_33 : vector<16xi32>
    %swap3A_35 = arith.constant 16 : index
    %swap3A_36 = tpu.vector_load %arg13[%swap3A_35] {strides = array<i32>} : memref<64xi32, #tpu.memory_space<vmem>>, vector<16xi32>,
    tpu.vector_store %arg13[%swap3A_35], %add3A_34 {strides = array<i32>} : memref<64xi32, #tpu.memory_space<vmem>>, vector<16xi32>,
    %add3A_37 = arith.constant 32 : i32
    %add3A_38 = vector.broadcast %add3A_37 : i32 to vector<16xi32>
    %add3A_39 = arith.addi %iota3A, %add3A_38 : vector<16xi32>
    %swap3A_40 = arith.constant 32 : index
    %swap3A_41 = tpu.vector_load %arg13[%swap3A_40] {strides = array<i32>} : memref<64xi32, #tpu.memory_space<vmem>>, vector<16xi32>,
    tpu.vector_store %arg13[%swap3A_40], %add3A_39 {strides = array<i32>} : memref<64xi32, #tpu.memory_space<vmem>>, vector<16xi32>,
    %add3A_42 = arith.constant 48 : i32
    %add3A_43 = vector.broadcast %add3A_42 : i32 to vector<16xi32>
    %add3A_44 = arith.addi %iota3A, %add3A_43 : vector<16xi32>
    %swap3A_45 = arith.constant 48 : index
    %swap3A_46 = tpu.vector_load %arg13[%swap3A_45] {strides = array<i32>} : memref<64xi32, #tpu.memory_space<vmem>>, vector<16xi32>,
    tpu.vector_store %arg13[%swap3A_45], %add3A_44 {strides = array<i32>} : memref<64xi32, #tpu.memory_space<vmem>>, vector<16xi32>,
    %scan3A = arith.constant 0 : i32
    %scan3A_47 = arith.constant 0 : i32
    %scan3A_48 = arith.constant 64 : i32
    %scan3A_49 = arith.addi %scan3A_47, %scan3A_48 : i32
    %scan3A_50 = arith.constant 8 : i32
    %scan3A_51 = scf.for %scan3A_179 = %scan3A_47 to %scan3A_49 step %scan3A_50 iter_args(%scan3A_180 = %scan3A) -> (i32)  : i32 {
      %swap3A_181 = arith.index_cast %scan3A_179 : i32 to index
      %swap3A_182 = arith.constant 0 : index
      %swap3A_183 = tpu.vector_load %arg11[%swap3A_181, %swap3A_182] {strides = array<i32>} : memref<64x16xf32, #tpu.memory_space<vmem>>, vector<16xf32>,
      tpu.vector_store %arg11[%swap3A_181, %swap3A_182], %broadcast_in_dim3A_2 {strides = array<i32>} : memref<64x16xf32, #tpu.memory_space<vmem>>, vector<16xf32>,
      %swap3A_184 = arith.index_cast %scan3A_179 : i32 to index
      %swap3A_185 = arith.constant 0 : index
      %swap3A_186 = tpu.vector_load %arg12[%swap3A_184, %swap3A_185] {strides = array<i32>} : memref<64x16xf32, #tpu.memory_space<vmem>>, vector<16xf32>,
      tpu.vector_store %arg12[%swap3A_184, %swap3A_185], %broadcast_in_dim3A_2 {strides = array<i32>} : memref<64x16xf32, #tpu.memory_space<vmem>>, vector<16xf32>,
      %scan3A_187 = arith.constant 0 : i32
      %scan3A_188 = arith.constant 1 : i32
      %scan3A_189 = arith.addi %scan3A_179, %scan3A_188 : i32
      %swap3A_190 = arith.index_cast %scan3A_189 : i32 to index
      %swap3A_191 = arith.constant 0 : index
      %swap3A_192 = tpu.vector_load %arg11[%swap3A_190, %swap3A_191] {strides = array<i32>} : memref<64x16xf32, #tpu.memory_space<vmem>>, vector<16xf32>,
      tpu.vector_store %arg11[%swap3A_190, %swap3A_191], %broadcast_in_dim3A_2 {strides = array<i32>} : memref<64x16xf32, #tpu.memory_space<vmem>>, vector<16xf32>,
      %swap3A_193 = arith.index_cast %scan3A_189 : i32 to index
      %swap3A_194 = arith.constant 0 : index
      %swap3A_195 = tpu.vector_load %arg12[%swap3A_193, %swap3A_194] {strides = array<i32>} : memref<64x16xf32, #tpu.memory_space<vmem>>, vector<16xf32>,
      tpu.vector_store %arg12[%swap3A_193, %swap3A_194], %broadcast_in_dim3A_2 {strides = array<i32>} : memref<64x16xf32, #tpu.memory_space<vmem>>, vector<16xf32>,
      %scan3A_196 = arith.constant 0 : i32
      %scan3A_197 = arith.constant 2 : i32
      %scan3A_198 = arith.addi %scan3A_179, %scan3A_197 : i32
      %swap3A_199 = arith.index_cast %scan3A_198 : i32 to index
      %swap3A_200 = arith.constant 0 : index
      %swap3A_201 = tpu.vector_load %arg11[%swap3A_199, %swap3A_200] {strides = array<i32>} : memref<64x16xf32, #tpu.memory_space<vmem>>, vector<16xf32>,
      tpu.vector_store %arg11[%swap3A_199, %swap3A_200], %broadcast_in_dim3A_2 {strides = array<i32>} : memref<64x16xf32, #tpu.memory_space<vmem>>, vector<16xf32>,
      %swap3A_202 = arith.index_cast %scan3A_198 : i32 to index
      %swap3A_203 = arith.constant 0 : index
      %swap3A_204 = tpu.vector_load %arg12[%swap3A_202, %swap3A_203] {strides = array<i32>} : memref<64x16xf32, #tpu.memory_space<vmem>>, vector<16xf32>,
      tpu.vector_store %arg12[%swap3A_202, %swap3A_203], %broadcast_in_dim3A_2 {strides = array<i32>} : memref<64x16xf32, #tpu.memory_space<vmem>>, vector<16xf32>,
      %scan3A_205 = arith.constant 0 : i32
      %scan3A_206 = arith.constant 3 : i32
      %scan3A_207 = arith.addi %scan3A_179, %scan3A_206 : i32
      %swap3A_208 = arith.index_cast %scan3A_207 : i32 to index
      %swap3A_209 = arith.constant 0 : index
      %swap3A_210 = tpu.vector_load %arg11[%swap3A_208, %swap3A_209] {strides = array<i32>} : memref<64x16xf32, #tpu.memory_space<vmem>>, vector<16xf32>,
      tpu.vector_store %arg11[%swap3A_208, %swap3A_209], %broadcast_in_dim3A_2 {strides = array<i32>} : memref<64x16xf32, #tpu.memory_space<vmem>>, vector<16xf32>,
      %swap3A_211 = arith.index_cast %scan3A_207 : i32 to index
      %swap3A_212 = arith.constant 0 : index
      %swap3A_213 = tpu.vector_load %arg12[%swap3A_211, %swap3A_212] {strides = array<i32>} : memref<64x16xf32, #tpu.memory_space<vmem>>, vector<16xf32>,
      tpu.vector_store %arg12[%swap3A_211, %swap3A_212], %broadcast_in_dim3A_2 {strides = array<i32>} : memref<64x16xf32, #tpu.memory_space<vmem>>, vector<16xf32>,
      %scan3A_214 = arith.constant 0 : i32
      %scan3A_215 = arith.constant 4 : i32
      %scan3A_216 = arith.addi %scan3A_179, %scan3A_215 : i32
      %swap3A_217 = arith.index_cast %scan3A_216 : i32 to index
      %swap3A_218 = arith.constant 0 : index
      %swap3A_219 = tpu.vector_load %arg11[%swap3A_217, %swap3A_218] {strides = array<i32>} : memref<64x16xf32, #tpu.memory_space<vmem>>, vector<16xf32>,
      tpu.vector_store %arg11[%swap3A_217, %swap3A_218], %broadcast_in_dim3A_2 {strides = array<i32>} : memref<64x16xf32, #tpu.memory_space<vmem>>, vector<16xf32>,
      %swap3A_220 = arith.index_cast %scan3A_216 : i32 to index
      %swap3A_221 = arith.constant 0 : index
      %swap3A_222 = tpu.vector_load %arg12[%swap3A_220, %swap3A_221] {strides = array<i32>} : memref<64x16xf32, #tpu.memory_space<vmem>>, vector<16xf32>,
      tpu.vector_store %arg12[%swap3A_220, %swap3A_221], %broadcast_in_dim3A_2 {strides = array<i32>} : memref<64x16xf32, #tpu.memory_space<vmem>>, vector<16xf32>,
      %scan3A_223 = arith.constant 0 : i32
      %scan3A_224 = arith.constant 5 : i32
      %scan3A_225 = arith.addi %scan3A_179, %scan3A_224 : i32
      %swap3A_226 = arith.index_cast %scan3A_225 : i32 to index
      %swap3A_227 = arith.constant 0 : index
      %swap3A_228 = tpu.vector_load %arg11[%swap3A_226, %swap3A_227] {strides = array<i32>} : memref<64x16xf32, #tpu.memory_space<vmem>>, vector<16xf32>,
      tpu.vector_store %arg11[%swap3A_226, %swap3A_227], %broadcast_in_dim3A_2 {strides = array<i32>} : memref<64x16xf32, #tpu.memory_space<vmem>>, vector<16xf32>,
      %swap3A_229 = arith.index_cast %scan3A_225 : i32 to index
      %swap3A_230 = arith.constant 0 : index
      %swap3A_231 = tpu.vector_load %arg12[%swap3A_229, %swap3A_230] {strides = array<i32>} : memref<64x16xf32, #tpu.memory_space<vmem>>, vector<16xf32>,
      tpu.vector_store %arg12[%swap3A_229, %swap3A_230], %broadcast_in_dim3A_2 {strides = array<i32>} : memref<64x16xf32, #tpu.memory_space<vmem>>, vector<16xf32>,
      %scan3A_232 = arith.constant 0 : i32
      %scan3A_233 = arith.constant 6 : i32
      %scan3A_234 = arith.addi %scan3A_179, %scan3A_233 : i32
      %swap3A_235 = arith.index_cast %scan3A_234 : i32 to index
      %swap3A_236 = arith.constant 0 : index
      %swap3A_237 = tpu.vector_load %arg11[%swap3A_235, %swap3A_236] {strides = array<i32>} : memref<64x16xf32, #tpu.memory_space<vmem>>, vector<16xf32>,
      tpu.vector_store %arg11[%swap3A_235, %swap3A_236], %broadcast_in_dim3A_2 {strides = array<i32>} : memref<64x16xf32, #tpu.memory_space<vmem>>, vector<16xf32>,
      %swap3A_238 = arith.index_cast %scan3A_234 : i32 to index
      %swap3A_239 = arith.constant 0 : index
      %swap3A_240 = tpu.vector_load %arg12[%swap3A_238, %swap3A_239] {strides = array<i32>} : memref<64x16xf32, #tpu.memory_space<vmem>>, vector<16xf32>,
      tpu.vector_store %arg12[%swap3A_238, %swap3A_239], %broadcast_in_dim3A_2 {strides = array<i32>} : memref<64x16xf32, #tpu.memory_space<vmem>>, vector<16xf32>,
      %scan3A_241 = arith.constant 0 : i32
      %scan3A_242 = arith.constant 7 : i32
      %scan3A_243 = arith.addi %scan3A_179, %scan3A_242 : i32
      %swap3A_244 = arith.index_cast %scan3A_243 : i32 to index
      %swap3A_245 = arith.constant 0 : index
      %swap3A_246 = tpu.vector_load %arg11[%swap3A_244, %swap3A_245] {strides = array<i32>} : memref<64x16xf32, #tpu.memory_space<vmem>>, vector<16xf32>,
      tpu.vector_store %arg11[%swap3A_244, %swap3A_245], %broadcast_in_dim3A_2 {strides = array<i32>} : memref<64x16xf32, #tpu.memory_space<vmem>>, vector<16xf32>,
      %swap3A_247 = arith.index_cast %scan3A_243 : i32 to index
      %swap3A_248 = arith.constant 0 : index
      %swap3A_249 = tpu.vector_load %arg12[%swap3A_247, %swap3A_248] {strides = array<i32>} : memref<64x16xf32, #tpu.memory_space<vmem>>, vector<16xf32>,
      tpu.vector_store %arg12[%swap3A_247, %swap3A_248], %broadcast_in_dim3A_2 {strides = array<i32>} : memref<64x16xf32, #tpu.memory_space<vmem>>, vector<16xf32>,
      %scan3A_250 = arith.constant 0 : i32
      scf.yield %scan3A_250 : i32
    }
    %scan3A_52 = arith.constant 64 : i32
    %eq3A = arith.constant 0 : i32
    %eq3A_53 = arith.cmpi eq, %arg1, %eq3A : i32
    %convert_element_type3A = arith.extui %eq3A_53 : i1 to i32
    %cond3A = arith.constant 0 : i32
    %cond3A_54 = arith.cmpi ne, %convert_element_type3A, %cond3A : i32
    scf.if %cond3A_54 {
      "tpu.region"() ({
        %run_scoped3A = tpu.sem_alloc : memref<!tpu.dma_semaphore, #tpu.memory_space<semaphore_mem>>
        tpu.enqueue_dma source(%arg12 : memref<64x16xf32, #tpu.memory_space<vmem>>) target(%arg14 : memref<64x16xf32, #tpu.memory_space<vmem_shared>>) target_semaphore(%run_scoped3A : memref<!tpu.dma_semaphore, #tpu.memory_space<semaphore_mem>>)
        tpu.wait_dma2 semaphore(%run_scoped3A : memref<!tpu.dma_semaphore, #tpu.memory_space<semaphore_mem>>) src(%arg12 : memref<64x16xf32, #tpu.memory_space<vmem>>) dst(%arg14 : memref<64x16xf32, #tpu.memory_space<vmem_shared>>)
        tpu.yield
      }) : () -> ()
    } else {
    }
    %parallel_loop3A = arith.constant 0 : i32
    %parallel_loop3A_55 = arith.constant 16384 : i32
    %parallel_loop3A_56 = arith.constant 16 : i32
    scf.for %parallel_loop3A_179 = %parallel_loop3A to %parallel_loop3A_55 step %parallel_loop3A_56  : i32 {
      %parallel_loop3A_180 = arith.constant 9 : i32
      %parallel_loop3A_181 = arith.shrsi %parallel_loop3A_179, %parallel_loop3A_180 : i32
      %parallel_loop3A_182 = arith.constant 511 : i32
      %parallel_loop3A_183 = arith.andi %parallel_loop3A_179, %parallel_loop3A_182 : i32
      %parallel_loop3A_184 = arith.index_cast %parallel_loop3A_181 : i32 to index
      %parallel_loop3A_185 = arith.index_cast %parallel_loop3A_183 : i32 to index
      %parallel_loop3A_186 = tpu.vector_load %arg10[%parallel_loop3A_184, %parallel_loop3A_185] {strides = array<i32>} : memref<32x512xf32, #tpu.memory_space<vmem>>, vector<16xf32>,
      tpu.vector_store %arg10[%parallel_loop3A_184, %parallel_loop3A_185], %broadcast_in_dim3A_2 {strides = array<i32>} : memref<32x512xf32, #tpu.memory_space<vmem>>, vector<16xf32>,
    } {sc.loop_unroll_factor = 8 : i64, sc.parallel_access}
    %dma_start3A_57 = arith.constant 2 : i32
    %dma_start3A_58 = arith.constant 0 : i32
    %dma_start3A_59 = tpu.memref_slice %arg4[%mul3A_9, %dma_start3A_57, %mul3A_7, %dma_start3A_58] : memref<4x3x512x512xf32, #tpu.memory_space<hbm>> -> memref<1x1x32x512xf32, #tpu.memory_space<hbm>>
    %dma_start3A_60 = tpu.memref_squeeze %dma_start3A_59 : memref<1x1x32x512xf32, #tpu.memory_space<hbm>> -> memref<32x512xf32, #tpu.memory_space<hbm>>
    %dma_start3A_61 = arith.constant 0 : i32
    %dma_start3A_62 = tpu.memref_slice %arg4[%mul3A_9, %dma_start3A_57, %mul3A_7, %dma_start3A_61] : memref<4x3x512x512xf32, #tpu.memory_space<hbm>> -> memref<1x1x32x512xf32, #tpu.memory_space<hbm>>
    %dma_start3A_63 = tpu.memref_squeeze %dma_start3A_62 : memref<1x1x32x512xf32, #tpu.memory_space<hbm>> -> memref<32x512xf32, #tpu.memory_space<hbm>>
    tpu.enqueue_dma source(%arg10 : memref<32x512xf32, #tpu.memory_space<vmem>>) target(%dma_start3A_63 : memref<32x512xf32, #tpu.memory_space<hbm>>) target_semaphore(%arg16 : memref<!tpu.dma_semaphore, #tpu.memory_space<semaphore_mem>>)
    %dma_start3A_64 = arith.constant 2 : i32
    %dma_start3A_65 = arith.constant 0 : i32
    %dma_start3A_66 = tpu.memref_slice %arg4[%add3A_10, %dma_start3A_64, %mul3A_7, %dma_start3A_65] : memref<4x3x512x512xf32, #tpu.memory_space<hbm>> -> memref<1x1x32x512xf32, #tpu.memory_space<hbm>>
    %dma_start3A_67 = tpu.memref_squeeze %dma_start3A_66 : memref<1x1x32x512xf32, #tpu.memory_space<hbm>> -> memref<32x512xf32, #tpu.memory_space<hbm>>
    %dma_start3A_68 = arith.constant 0 : i32
    %dma_start3A_69 = tpu.memref_slice %arg4[%add3A_10, %dma_start3A_64, %mul3A_7, %dma_start3A_68] : memref<4x3x512x512xf32, #tpu.memory_space<hbm>> -> memref<1x1x32x512xf32, #tpu.memory_space<hbm>>
    %dma_start3A_70 = tpu.memref_squeeze %dma_start3A_69 : memref<1x1x32x512xf32, #tpu.memory_space<hbm>> -> memref<32x512xf32, #tpu.memory_space<hbm>>
    tpu.enqueue_dma source(%arg10 : memref<32x512xf32, #tpu.memory_space<vmem>>) target(%dma_start3A_70 : memref<32x512xf32, #tpu.memory_space<hbm>>) target_semaphore(%arg16 : memref<!tpu.dma_semaphore, #tpu.memory_space<semaphore_mem>>)
    %dma_wait3A = arith.constant 0 : i32
    %dma_wait3A_71 = tpu.memref_slice %arg2[%mul3A_9, %mul3A_7, %dma_wait3A] : memref<4x512x512xf32, #tpu.memory_space<hbm>> -> memref<1x32x512xf32, #tpu.memory_space<hbm>>
    %dma_wait3A_72 = tpu.memref_squeeze %dma_wait3A_71 : memref<1x32x512xf32, #tpu.memory_space<hbm>> -> memref<32x512xf32, #tpu.memory_space<hbm>>
    %dma_wait3A_73 = arith.constant 0 : i32
    %dma_wait3A_74 = tpu.memref_slice %arg2[%mul3A_9, %mul3A_7, %dma_wait3A_73] : memref<4x512x512xf32, #tpu.memory_space<hbm>> -> memref<1x32x512xf32, #tpu.memory_space<hbm>>
    %dma_wait3A_75 = tpu.memref_squeeze %dma_wait3A_74 : memref<1x32x512xf32, #tpu.memory_space<hbm>> -> memref<32x512xf32, #tpu.memory_space<hbm>>
    tpu.wait_dma2 semaphore(%arg15 : memref<!tpu.dma_semaphore, #tpu.memory_space<semaphore_mem>>) src(%dma_wait3A_75 : memref<32x512xf32, #tpu.memory_space<hbm>>) dst(%arg5 : memref<32x512xf32, #tpu.memory_space<vmem>>)
    %dma_wait3A_76 = arith.constant 0 : i32
    %dma_wait3A_77 = tpu.memref_slice %arg3[%mul3A_9, %mul3A_7, %dma_wait3A_76] : memref<4x512x512xi32, #tpu.memory_space<hbm>> -> memref<1x32x512xi32, #tpu.memory_space<hbm>>
    %dma_wait3A_78 = tpu.memref_squeeze %dma_wait3A_77 : memref<1x32x512xi32, #tpu.memory_space<hbm>> -> memref<32x512xi32, #tpu.memory_space<hbm>>
    %dma_wait3A_79 = arith.constant 0 : i32
    %dma_wait3A_80 = tpu.memref_slice %arg3[%mul3A_9, %mul3A_7, %dma_wait3A_79] : memref<4x512x512xi32, #tpu.memory_space<hbm>> -> memref<1x32x512xi32, #tpu.memory_space<hbm>>
    %dma_wait3A_81 = tpu.memref_squeeze %dma_wait3A_80 : memref<1x32x512xi32, #tpu.memory_space<hbm>> -> memref<32x512xi32, #tpu.memory_space<hbm>>
    tpu.wait_dma2 semaphore(%arg15 : memref<!tpu.dma_semaphore, #tpu.memory_space<semaphore_mem>>) src(%dma_wait3A_81 : memref<32x512xi32, #tpu.memory_space<hbm>>) dst(%arg6 : memref<32x512xi32, #tpu.memory_space<vmem>>)
    %dma_wait3A_82 = arith.constant 0 : i32
    %dma_wait3A_83 = tpu.memref_slice %arg3[%add3A_10, %mul3A_7, %dma_wait3A_82] : memref<4x512x512xi32, #tpu.memory_space<hbm>> -> memref<1x32x512xi32, #tpu.memory_space<hbm>>
    %dma_wait3A_84 = tpu.memref_squeeze %dma_wait3A_83 : memref<1x32x512xi32, #tpu.memory_space<hbm>> -> memref<32x512xi32, #tpu.memory_space<hbm>>
    %dma_wait3A_85 = arith.constant 0 : i32
    %dma_wait3A_86 = tpu.memref_slice %arg3[%add3A_10, %mul3A_7, %dma_wait3A_85] : memref<4x512x512xi32, #tpu.memory_space<hbm>> -> memref<1x32x512xi32, #tpu.memory_space<hbm>>
    %dma_wait3A_87 = tpu.memref_squeeze %dma_wait3A_86 : memref<1x32x512xi32, #tpu.memory_space<hbm>> -> memref<32x512xi32, #tpu.memory_space<hbm>>
    tpu.wait_dma2 semaphore(%arg15 : memref<!tpu.dma_semaphore, #tpu.memory_space<semaphore_mem>>) src(%dma_wait3A_87 : memref<32x512xi32, #tpu.memory_space<hbm>>) dst(%arg7 : memref<32x512xi32, #tpu.memory_space<vmem>>)
    %parallel_loop3A_88 = arith.constant 0 : i32
    %parallel_loop3A_89 = arith.constant 16384 : i32
    %parallel_loop3A_90 = arith.constant 16 : i32
    scf.for %parallel_loop3A_179 = %parallel_loop3A_88 to %parallel_loop3A_89 step %parallel_loop3A_90  : i32 {
      %parallel_loop3A_180 = arith.constant 9 : i32
      %parallel_loop3A_181 = arith.shrsi %parallel_loop3A_179, %parallel_loop3A_180 : i32
      %parallel_loop3A_182 = arith.constant 511 : i32
      %parallel_loop3A_183 = arith.andi %parallel_loop3A_179, %parallel_loop3A_182 : i32
      %parallel_loop3A_184 = arith.index_cast %parallel_loop3A_181 : i32 to index
      %parallel_loop3A_185 = arith.index_cast %parallel_loop3A_183 : i32 to index
      %parallel_loop3A_186 = tpu.vector_load %arg5[%parallel_loop3A_184, %parallel_loop3A_185] {strides = array<i32>} : memref<32x512xf32, #tpu.memory_space<vmem>>, vector<16xf32>,
      %parallel_loop3A_187 = arith.index_cast %parallel_loop3A_181 : i32 to index
      %parallel_loop3A_188 = arith.index_cast %parallel_loop3A_183 : i32 to index
      %parallel_loop3A_189 = tpu.vector_load %arg6[%parallel_loop3A_187, %parallel_loop3A_188] {strides = array<i32>} : memref<32x512xi32, #tpu.memory_space<vmem>>, vector<16xi32>,
      %parallel_loop3A_190 = arith.constant 0.000000e+00 : f32
      %parallel_loop3A_191 = vector.broadcast %parallel_loop3A_190 : f32 to vector<16xf32>
      %parallel_loop3A_192 = arith.cmpf ogt, %parallel_loop3A_186, %parallel_loop3A_191 : vector<16xf32>
      %parallel_loop3A_193 = arith.constant 1024 : i32
      %parallel_loop3A_194 = vector.broadcast %parallel_loop3A_193 : i32 to vector<16xi32>
      %parallel_loop3A_195 = arith.addi %parallel_loop3A_189, %parallel_loop3A_194 : vector<16xi32>
      %parallel_loop3A_196 = arith.constant 0 : i32
      %parallel_loop3A_197 = vector.broadcast %parallel_loop3A_196 : i32 to vector<16xi32>
      %parallel_loop3A_198 = arith.select %parallel_loop3A_192, %parallel_loop3A_195, %parallel_loop3A_197 : vector<16xi1>, vector<16xi32>
      %parallel_loop3A_199 = arith.index_cast %parallel_loop3A_181 : i32 to index
      %parallel_loop3A_200 = arith.index_cast %parallel_loop3A_183 : i32 to index
      %parallel_loop3A_201 = tpu.vector_load %arg6[%parallel_loop3A_199, %parallel_loop3A_200] {strides = array<i32>} : memref<32x512xi32, #tpu.memory_space<vmem>>, vector<16xi32>,
      tpu.vector_store %arg6[%parallel_loop3A_199, %parallel_loop3A_200], %parallel_loop3A_198 {strides = array<i32>} : memref<32x512xi32, #tpu.memory_space<vmem>>, vector<16xi32>,
    } {sc.loop_unroll_factor = 16 : i64, sc.parallel_access}
    %barrier3A = arith.constant 0 : index
    tpu.barrier barrier_id(%barrier3A)
    %dma_start3A_91 = arith.constant 0 : i32
    %dma_start3A_92 = tpu.memref_slice %arg2[%add3A_10, %mul3A_7, %dma_start3A_91] : memref<4x512x512xf32, #tpu.memory_space<hbm>> -> memref<1x32x512xf32, #tpu.memory_space<hbm>>
    %dma_start3A_93 = tpu.memref_squeeze %dma_start3A_92 : memref<1x32x512xf32, #tpu.memory_space<hbm>> -> memref<32x512xf32, #tpu.memory_space<hbm>>
    %dma_start3A_94 = arith.constant 0 : i32
    %dma_start3A_95 = tpu.memref_slice %arg2[%add3A_10, %mul3A_7, %dma_start3A_94] : memref<4x512x512xf32, #tpu.memory_space<hbm>> -> memref<1x32x512xf32, #tpu.memory_space<hbm>>
    %dma_start3A_96 = tpu.memref_squeeze %dma_start3A_95 : memref<1x32x512xf32, #tpu.memory_space<hbm>> -> memref<32x512xf32, #tpu.memory_space<hbm>>
    tpu.enqueue_dma source(%dma_start3A_96 : memref<32x512xf32, #tpu.memory_space<hbm>>) target(%arg5 : memref<32x512xf32, #tpu.memory_space<vmem>>) target_semaphore(%arg15 : memref<!tpu.dma_semaphore, #tpu.memory_space<semaphore_mem>>)
    %dma_wait3A_97 = arith.constant 0 : i32
    %dma_wait3A_98 = tpu.memref_slice %arg2[%add3A_10, %mul3A_7, %dma_wait3A_97] : memref<4x512x512xf32, #tpu.memory_space<hbm>> -> memref<1x32x512xf32, #tpu.memory_space<hbm>>
    %dma_wait3A_99 = tpu.memref_squeeze %dma_wait3A_98 : memref<1x32x512xf32, #tpu.memory_space<hbm>> -> memref<32x512xf32, #tpu.memory_space<hbm>>
    %dma_wait3A_100 = arith.constant 0 : i32
    %dma_wait3A_101 = tpu.memref_slice %arg2[%add3A_10, %mul3A_7, %dma_wait3A_100] : memref<4x512x512xf32, #tpu.memory_space<hbm>> -> memref<1x32x512xf32, #tpu.memory_space<hbm>>
    %dma_wait3A_102 = tpu.memref_squeeze %dma_wait3A_101 : memref<1x32x512xf32, #tpu.memory_space<hbm>> -> memref<32x512xf32, #tpu.memory_space<hbm>>
    tpu.wait_dma2 semaphore(%arg15 : memref<!tpu.dma_semaphore, #tpu.memory_space<semaphore_mem>>) src(%dma_wait3A_102 : memref<32x512xf32, #tpu.memory_space<hbm>>) dst(%arg5 : memref<32x512xf32, #tpu.memory_space<vmem>>)
    %parallel_loop3A_103 = arith.constant 0 : i32
    %parallel_loop3A_104 = arith.constant 16384 : i32
    %parallel_loop3A_105 = arith.constant 16 : i32
    scf.for %parallel_loop3A_179 = %parallel_loop3A_103 to %parallel_loop3A_104 step %parallel_loop3A_105  : i32 {
      %parallel_loop3A_180 = arith.constant 9 : i32
      %parallel_loop3A_181 = arith.shrsi %parallel_loop3A_179, %parallel_loop3A_180 : i32
      %parallel_loop3A_182 = arith.constant 511 : i32
      %parallel_loop3A_183 = arith.andi %parallel_loop3A_179, %parallel_loop3A_182 : i32
      %parallel_loop3A_184 = arith.index_cast %parallel_loop3A_181 : i32 to index
      %parallel_loop3A_185 = arith.index_cast %parallel_loop3A_183 : i32 to index
      %parallel_loop3A_186 = tpu.vector_load %arg6[%parallel_loop3A_184, %parallel_loop3A_185] {strides = array<i32>} : memref<32x512xi32, #tpu.memory_space<vmem>>, vector<16xi32>,
      %parallel_loop3A_187 = arith.constant 0.000000e+00 : f32
      %parallel_loop3A_188 = vector.broadcast %parallel_loop3A_187 : f32 to vector<16xf32>
      %parallel_loop3A_189 = arith.constant 0.000000e+00 : f32
      %parallel_loop3A_190 = vector.broadcast %parallel_loop3A_189 : f32 to vector<16xf32>
      %parallel_loop3A_191 = arith.cmpf ogt, %parallel_loop3A_188, %parallel_loop3A_190 : vector<16xf32>
      %parallel_loop3A_192 = arith.constant 1023 : i32
      %parallel_loop3A_193 = vector.broadcast %parallel_loop3A_192 : i32 to vector<16xi32>
      %parallel_loop3A_194 = arith.cmpi sgt, %parallel_loop3A_186, %parallel_loop3A_193 : vector<16xi32>
      %parallel_loop3A_195 = arith.ori %parallel_loop3A_191, %parallel_loop3A_194 : vector<16xi1>
      %parallel_loop3A_196 = arith.constant 1.000000e+00 : f32
      %parallel_loop3A_197 = arith.constant 0.000000e+00 : f32
      %parallel_loop3A_198 = vector.broadcast %parallel_loop3A_196 : f32 to vector<16xf32>
      %parallel_loop3A_199 = vector.broadcast %parallel_loop3A_197 : f32 to vector<16xf32>
      %parallel_loop3A_200 = arith.select %parallel_loop3A_195, %parallel_loop3A_198, %parallel_loop3A_199 : vector<16xi1>, vector<16xf32>
      %parallel_loop3A_201 = arith.index_cast %parallel_loop3A_181 : i32 to index
      %parallel_loop3A_202 = arith.index_cast %parallel_loop3A_183 : i32 to index
      %parallel_loop3A_203 = tpu.vector_load %arg9[%parallel_loop3A_201, %parallel_loop3A_202] {strides = array<i32>} : memref<32x512xf32, #tpu.memory_space<vmem>>, vector<16xf32>,
      tpu.vector_store %arg9[%parallel_loop3A_201, %parallel_loop3A_202], %parallel_loop3A_200 {strides = array<i32>} : memref<32x512xf32, #tpu.memory_space<vmem>>, vector<16xf32>,
      %parallel_loop3A_204 = arith.constant 1.000000e+00 : f32
      %parallel_loop3A_205 = vector.broadcast %parallel_loop3A_204 : f32 to vector<16xf32>
      %parallel_loop3A_206 = arith.subf %parallel_loop3A_205, %parallel_loop3A_200 : vector<16xf32>
      %parallel_loop3A_207 = arith.index_cast %parallel_loop3A_181 : i32 to index
      %parallel_loop3A_208 = arith.index_cast %parallel_loop3A_183 : i32 to index
      %parallel_loop3A_209 = tpu.vector_load %arg8[%parallel_loop3A_207, %parallel_loop3A_208] {strides = array<i32>} : memref<32x512xf32, #tpu.memory_space<vmem>>, vector<16xf32>,
      tpu.vector_store %arg8[%parallel_loop3A_207, %parallel_loop3A_208], %parallel_loop3A_206 {strides = array<i32>} : memref<32x512xf32, #tpu.memory_space<vmem>>, vector<16xf32>,
      %parallel_loop3A_210 = arith.constant 9 : i32
      %parallel_loop3A_211 = arith.shrsi %parallel_loop3A_179, %parallel_loop3A_210 : i32
      %parallel_loop3A_212 = arith.constant 511 : i32
      %parallel_loop3A_213 = arith.andi %parallel_loop3A_179, %parallel_loop3A_212 : i32
      %parallel_loop3A_214 = arith.index_cast %parallel_loop3A_211 : i32 to index
      %parallel_loop3A_215 = arith.index_cast %parallel_loop3A_213 : i32 to index
      %parallel_loop3A_216 = tpu.vector_load %arg5[%parallel_loop3A_214, %parallel_loop3A_215] {strides = array<i32>} : memref<32x512xf32, #tpu.memory_space<vmem>>, vector<16xf32>,
      %parallel_loop3A_217 = arith.index_cast %parallel_loop3A_211 : i32 to index
      %parallel_loop3A_218 = arith.index_cast %parallel_loop3A_213 : i32 to index
      %parallel_loop3A_219 = tpu.vector_load %arg7[%parallel_loop3A_217, %parallel_loop3A_218] {strides = array<i32>} : memref<32x512xi32, #tpu.memory_space<vmem>>, vector<16xi32>,
      %parallel_loop3A_220 = arith.constant 0.000000e+00 : f32
      %parallel_loop3A_221 = vector.broadcast %parallel_loop3A_220 : f32 to vector<16xf32>
      %parallel_loop3A_222 = arith.cmpf ogt, %parallel_loop3A_216, %parallel_loop3A_221 : vector<16xf32>
      %parallel_loop3A_223 = arith.constant 1024 : i32
      %parallel_loop3A_224 = vector.broadcast %parallel_loop3A_223 : i32 to vector<16xi32>
      %parallel_loop3A_225 = arith.addi %parallel_loop3A_219, %parallel_loop3A_224 : vector<16xi32>
      %parallel_loop3A_226 = arith.constant 0 : i32
      %parallel_loop3A_227 = vector.broadcast %parallel_loop3A_226 : i32 to vector<16xi32>
      %parallel_loop3A_228 = arith.select %parallel_loop3A_222, %parallel_loop3A_225, %parallel_loop3A_227 : vector<16xi1>, vector<16xi32>
      %parallel_loop3A_229 = arith.index_cast %parallel_loop3A_211 : i32 to index
      %parallel_loop3A_230 = arith.index_cast %parallel_loop3A_213 : i32 to index
      %parallel_loop3A_231 = tpu.vector_load %arg7[%parallel_loop3A_229, %parallel_loop3A_230] {strides = array<i32>} : memref<32x512xi32, #tpu.memory_space<vmem>>, vector<16xi32>,
      tpu.vector_store %arg7[%parallel_loop3A_229, %parallel_loop3A_230], %parallel_loop3A_228 {strides = array<i32>} : memref<32x512xi32, #tpu.memory_space<vmem>>, vector<16xi32>,
    } {sc.loop_unroll_factor = 16 : i64, sc.parallel_access}
    %dma_start3A_106 = arith.constant 0 : i32
    %dma_start3A_107 = arith.constant 0 : i32
    %dma_start3A_108 = tpu.memref_slice %arg4[%mul3A_9, %dma_start3A_106, %mul3A_7, %dma_start3A_107] : memref<4x3x512x512xf32, #tpu.memory_space<hbm>> -> memref<1x1x32x512xf32, #tpu.memory_space<hbm>>
    %dma_start3A_109 = tpu.memref_squeeze %dma_start3A_108 : memref<1x1x32x512xf32, #tpu.memory_space<hbm>> -> memref<32x512xf32, #tpu.memory_space<hbm>>
    %dma_start3A_110 = arith.constant 0 : i32
    %dma_start3A_111 = tpu.memref_slice %arg4[%mul3A_9, %dma_start3A_106, %mul3A_7, %dma_start3A_110] : memref<4x3x512x512xf32, #tpu.memory_space<hbm>> -> memref<1x1x32x512xf32, #tpu.memory_space<hbm>>
    %dma_start3A_112 = tpu.memref_squeeze %dma_start3A_111 : memref<1x1x32x512xf32, #tpu.memory_space<hbm>> -> memref<32x512xf32, #tpu.memory_space<hbm>>
    tpu.enqueue_dma source(%arg8 : memref<32x512xf32, #tpu.memory_space<vmem>>) target(%dma_start3A_112 : memref<32x512xf32, #tpu.memory_space<hbm>>) target_semaphore(%arg16 : memref<!tpu.dma_semaphore, #tpu.memory_space<semaphore_mem>>)
    %dma_start3A_113 = arith.constant 1 : i32
    %dma_start3A_114 = arith.constant 0 : i32
    %dma_start3A_115 = tpu.memref_slice %arg4[%mul3A_9, %dma_start3A_113, %mul3A_7, %dma_start3A_114] : memref<4x3x512x512xf32, #tpu.memory_space<hbm>> -> memref<1x1x32x512xf32, #tpu.memory_space<hbm>>
    %dma_start3A_116 = tpu.memref_squeeze %dma_start3A_115 : memref<1x1x32x512xf32, #tpu.memory_space<hbm>> -> memref<32x512xf32, #tpu.memory_space<hbm>>
    %dma_start3A_117 = arith.constant 0 : i32
    %dma_start3A_118 = tpu.memref_slice %arg4[%mul3A_9, %dma_start3A_113, %mul3A_7, %dma_start3A_117] : memref<4x3x512x512xf32, #tpu.memory_space<hbm>> -> memref<1x1x32x512xf32, #tpu.memory_space<hbm>>
    %dma_start3A_119 = tpu.memref_squeeze %dma_start3A_118 : memref<1x1x32x512xf32, #tpu.memory_space<hbm>> -> memref<32x512xf32, #tpu.memory_space<hbm>>
    tpu.enqueue_dma source(%arg9 : memref<32x512xf32, #tpu.memory_space<vmem>>) target(%dma_start3A_119 : memref<32x512xf32, #tpu.memory_space<hbm>>) target_semaphore(%arg16 : memref<!tpu.dma_semaphore, #tpu.memory_space<semaphore_mem>>)
    %dma_wait3A_120 = arith.constant 0 : i32
    %dma_wait3A_121 = arith.constant 0 : i32
    %dma_wait3A_122 = tpu.memref_slice %arg4[%mul3A_9, %dma_wait3A_120, %mul3A_7, %dma_wait3A_121] : memref<4x3x512x512xf32, #tpu.memory_space<hbm>> -> memref<1x1x32x512xf32, #tpu.memory_space<hbm>>
    %dma_wait3A_123 = tpu.memref_squeeze %dma_wait3A_122 : memref<1x1x32x512xf32, #tpu.memory_space<hbm>> -> memref<32x512xf32, #tpu.memory_space<hbm>>
    %dma_wait3A_124 = arith.constant 0 : i32
    %dma_wait3A_125 = tpu.memref_slice %arg4[%mul3A_9, %dma_wait3A_120, %mul3A_7, %dma_wait3A_124] : memref<4x3x512x512xf32, #tpu.memory_space<hbm>> -> memref<1x1x32x512xf32, #tpu.memory_space<hbm>>
    %dma_wait3A_126 = tpu.memref_squeeze %dma_wait3A_125 : memref<1x1x32x512xf32, #tpu.memory_space<hbm>> -> memref<32x512xf32, #tpu.memory_space<hbm>>
    tpu.wait_dma2 semaphore(%arg16 : memref<!tpu.dma_semaphore, #tpu.memory_space<semaphore_mem>>) src(%arg8 : memref<32x512xf32, #tpu.memory_space<vmem>>) dst(%dma_wait3A_126 : memref<32x512xf32, #tpu.memory_space<hbm>>)
    %dma_wait3A_127 = arith.constant 1 : i32
    %dma_wait3A_128 = arith.constant 0 : i32
    %dma_wait3A_129 = tpu.memref_slice %arg4[%mul3A_9, %dma_wait3A_127, %mul3A_7, %dma_wait3A_128] : memref<4x3x512x512xf32, #tpu.memory_space<hbm>> -> memref<1x1x32x512xf32, #tpu.memory_space<hbm>>
    %dma_wait3A_130 = tpu.memref_squeeze %dma_wait3A_129 : memref<1x1x32x512xf32, #tpu.memory_space<hbm>> -> memref<32x512xf32, #tpu.memory_space<hbm>>
    %dma_wait3A_131 = arith.constant 0 : i32
    %dma_wait3A_132 = tpu.memref_slice %arg4[%mul3A_9, %dma_wait3A_127, %mul3A_7, %dma_wait3A_131] : memref<4x3x512x512xf32, #tpu.memory_space<hbm>> -> memref<1x1x32x512xf32, #tpu.memory_space<hbm>>
    %dma_wait3A_133 = tpu.memref_squeeze %dma_wait3A_132 : memref<1x1x32x512xf32, #tpu.memory_space<hbm>> -> memref<32x512xf32, #tpu.memory_space<hbm>>
    tpu.wait_dma2 semaphore(%arg16 : memref<!tpu.dma_semaphore, #tpu.memory_space<semaphore_mem>>) src(%arg9 : memref<32x512xf32, #tpu.memory_space<vmem>>) dst(%dma_wait3A_133 : memref<32x512xf32, #tpu.memory_space<hbm>>)
    %parallel_loop3A_134 = arith.constant 0 : i32
    %parallel_loop3A_135 = arith.constant 16384 : i32
    %parallel_loop3A_136 = arith.constant 16 : i32
    scf.for %parallel_loop3A_179 = %parallel_loop3A_134 to %parallel_loop3A_135 step %parallel_loop3A_136  : i32 {
      %parallel_loop3A_180 = arith.constant 9 : i32
      %parallel_loop3A_181 = arith.shrsi %parallel_loop3A_179, %parallel_loop3A_180 : i32
      %parallel_loop3A_182 = arith.constant 511 : i32
      %parallel_loop3A_183 = arith.andi %parallel_loop3A_179, %parallel_loop3A_182 : i32
      %parallel_loop3A_184 = arith.index_cast %parallel_loop3A_181 : i32 to index
      %parallel_loop3A_185 = arith.index_cast %parallel_loop3A_183 : i32 to index
      %parallel_loop3A_186 = tpu.vector_load %arg7[%parallel_loop3A_184, %parallel_loop3A_185] {strides = array<i32>} : memref<32x512xi32, #tpu.memory_space<vmem>>, vector<16xi32>,
      %parallel_loop3A_187 = arith.constant 0.000000e+00 : f32
      %parallel_loop3A_188 = vector.broadcast %parallel_loop3A_187 : f32 to vector<16xf32>
      %parallel_loop3A_189 = arith.constant 0.000000e+00 : f32
      %parallel_loop3A_190 = vector.broadcast %parallel_loop3A_189 : f32 to vector<16xf32>
      %parallel_loop3A_191 = arith.cmpf ogt, %parallel_loop3A_188, %parallel_loop3A_190 : vector<16xf32>
      %parallel_loop3A_192 = arith.constant 1023 : i32
      %parallel_loop3A_193 = vector.broadcast %parallel_loop3A_192 : i32 to vector<16xi32>
      %parallel_loop3A_194 = arith.cmpi sgt, %parallel_loop3A_186, %parallel_loop3A_193 : vector<16xi32>
      %parallel_loop3A_195 = arith.ori %parallel_loop3A_191, %parallel_loop3A_194 : vector<16xi1>
      %parallel_loop3A_196 = arith.constant 1.000000e+00 : f32
      %parallel_loop3A_197 = arith.constant 0.000000e+00 : f32
      %parallel_loop3A_198 = vector.broadcast %parallel_loop3A_196 : f32 to vector<16xf32>
      %parallel_loop3A_199 = vector.broadcast %parallel_loop3A_197 : f32 to vector<16xf32>
      %parallel_loop3A_200 = arith.select %parallel_loop3A_195, %parallel_loop3A_198, %parallel_loop3A_199 : vector<16xi1>, vector<16xf32>
      %parallel_loop3A_201 = arith.index_cast %parallel_loop3A_181 : i32 to index
      %parallel_loop3A_202 = arith.index_cast %parallel_loop3A_183 : i32 to index
      %parallel_loop3A_203 = tpu.vector_load %arg9[%parallel_loop3A_201, %parallel_loop3A_202] {strides = array<i32>} : memref<32x512xf32, #tpu.memory_space<vmem>>, vector<16xf32>,
      tpu.vector_store %arg9[%parallel_loop3A_201, %parallel_loop3A_202], %parallel_loop3A_200 {strides = array<i32>} : memref<32x512xf32, #tpu.memory_space<vmem>>, vector<16xf32>,
      %parallel_loop3A_204 = arith.constant 1.000000e+00 : f32
      %parallel_loop3A_205 = vector.broadcast %parallel_loop3A_204 : f32 to vector<16xf32>
      %parallel_loop3A_206 = arith.subf %parallel_loop3A_205, %parallel_loop3A_200 : vector<16xf32>
      %parallel_loop3A_207 = arith.index_cast %parallel_loop3A_181 : i32 to index
      %parallel_loop3A_208 = arith.index_cast %parallel_loop3A_183 : i32 to index
      %parallel_loop3A_209 = tpu.vector_load %arg8[%parallel_loop3A_207, %parallel_loop3A_208] {strides = array<i32>} : memref<32x512xf32, #tpu.memory_space<vmem>>, vector<16xf32>,
      tpu.vector_store %arg8[%parallel_loop3A_207, %parallel_loop3A_208], %parallel_loop3A_206 {strides = array<i32>} : memref<32x512xf32, #tpu.memory_space<vmem>>, vector<16xf32>,
    } {sc.loop_unroll_factor = 16 : i64, sc.parallel_access}
    %dma_start3A_137 = arith.constant 0 : i32
    %dma_start3A_138 = arith.constant 0 : i32
    %dma_start3A_139 = tpu.memref_slice %arg4[%add3A_10, %dma_start3A_137, %mul3A_7, %dma_start3A_138] : memref<4x3x512x512xf32, #tpu.memory_space<hbm>> -> memref<1x1x32x512xf32, #tpu.memory_space<hbm>>
    %dma_start3A_140 = tpu.memref_squeeze %dma_start3A_139 : memref<1x1x32x512xf32, #tpu.memory_space<hbm>> -> memref<32x512xf32, #tpu.memory_space<hbm>>
    %dma_start3A_141 = arith.constant 0 : i32
    %dma_start3A_142 = tpu.memref_slice %arg4[%add3A_10, %dma_start3A_137, %mul3A_7, %dma_start3A_141] : memref<4x3x512x512xf32, #tpu.memory_space<hbm>> -> memref<1x1x32x512xf32, #tpu.memory_space<hbm>>
    %dma_start3A_143 = tpu.memref_squeeze %dma_start3A_142 : memref<1x1x32x512xf32, #tpu.memory_space<hbm>> -> memref<32x512xf32, #tpu.memory_space<hbm>>
    tpu.enqueue_dma source(%arg8 : memref<32x512xf32, #tpu.memory_space<vmem>>) target(%dma_start3A_143 : memref<32x512xf32, #tpu.memory_space<hbm>>) target_semaphore(%arg16 : memref<!tpu.dma_semaphore, #tpu.memory_space<semaphore_mem>>)
    %dma_start3A_144 = arith.constant 1 : i32
    %dma_start3A_145 = arith.constant 0 : i32
    %dma_start3A_146 = tpu.memref_slice %arg4[%add3A_10, %dma_start3A_144, %mul3A_7, %dma_start3A_145] : memref<4x3x512x512xf32, #tpu.memory_space<hbm>> -> memref<1x1x32x512xf32, #tpu.memory_space<hbm>>
    %dma_start3A_147 = tpu.memref_squeeze %dma_start3A_146 : memref<1x1x32x512xf32, #tpu.memory_space<hbm>> -> memref<32x512xf32, #tpu.memory_space<hbm>>
    %dma_start3A_148 = arith.constant 0 : i32
    %dma_start3A_149 = tpu.memref_slice %arg4[%add3A_10, %dma_start3A_144, %mul3A_7, %dma_start3A_148] : memref<4x3x512x512xf32, #tpu.memory_space<hbm>> -> memref<1x1x32x512xf32, #tpu.memory_space<hbm>>
    %dma_start3A_150 = tpu.memref_squeeze %dma_start3A_149 : memref<1x1x32x512xf32, #tpu.memory_space<hbm>> -> memref<32x512xf32, #tpu.memory_space<hbm>>
    tpu.enqueue_dma source(%arg9 : memref<32x512xf32, #tpu.memory_space<vmem>>) target(%dma_start3A_150 : memref<32x512xf32, #tpu.memory_space<hbm>>) target_semaphore(%arg16 : memref<!tpu.dma_semaphore, #tpu.memory_space<semaphore_mem>>)
    %dma_wait3A_151 = arith.constant 2 : i32
    %dma_wait3A_152 = arith.constant 0 : i32
    %dma_wait3A_153 = tpu.memref_slice %arg4[%mul3A_9, %dma_wait3A_151, %mul3A_7, %dma_wait3A_152] : memref<4x3x512x512xf32, #tpu.memory_space<hbm>> -> memref<1x1x32x512xf32, #tpu.memory_space<hbm>>
    %dma_wait3A_154 = tpu.memref_squeeze %dma_wait3A_153 : memref<1x1x32x512xf32, #tpu.memory_space<hbm>> -> memref<32x512xf32, #tpu.memory_space<hbm>>
    %dma_wait3A_155 = arith.constant 0 : i32
    %dma_wait3A_156 = tpu.memref_slice %arg4[%mul3A_9, %dma_wait3A_151, %mul3A_7, %dma_wait3A_155] : memref<4x3x512x512xf32, #tpu.memory_space<hbm>> -> memref<1x1x32x512xf32, #tpu.memory_space<hbm>>
    %dma_wait3A_157 = tpu.memref_squeeze %dma_wait3A_156 : memref<1x1x32x512xf32, #tpu.memory_space<hbm>> -> memref<32x512xf32, #tpu.memory_space<hbm>>
    tpu.wait_dma2 semaphore(%arg16 : memref<!tpu.dma_semaphore, #tpu.memory_space<semaphore_mem>>) src(%arg10 : memref<32x512xf32, #tpu.memory_space<vmem>>) dst(%dma_wait3A_157 : memref<32x512xf32, #tpu.memory_space<hbm>>)
    %dma_wait3A_158 = arith.constant 2 : i32
    %dma_wait3A_159 = arith.constant 0 : i32
    %dma_wait3A_160 = tpu.memref_slice %arg4[%add3A_10, %dma_wait3A_158, %mul3A_7, %dma_wait3A_159] : memref<4x3x512x512xf32, #tpu.memory_space<hbm>> -> memref<1x1x32x512xf32, #tpu.memory_space<hbm>>
    %dma_wait3A_161 = tpu.memref_squeeze %dma_wait3A_160 : memref<1x1x32x512xf32, #tpu.memory_space<hbm>> -> memref<32x512xf32, #tpu.memory_space<hbm>>
    %dma_wait3A_162 = arith.constant 0 : i32
    %dma_wait3A_163 = tpu.memref_slice %arg4[%add3A_10, %dma_wait3A_158, %mul3A_7, %dma_wait3A_162] : memref<4x3x512x512xf32, #tpu.memory_space<hbm>> -> memref<1x1x32x512xf32, #tpu.memory_space<hbm>>
    %dma_wait3A_164 = tpu.memref_squeeze %dma_wait3A_163 : memref<1x1x32x512xf32, #tpu.memory_space<hbm>> -> memref<32x512xf32, #tpu.memory_space<hbm>>
    tpu.wait_dma2 semaphore(%arg16 : memref<!tpu.dma_semaphore, #tpu.memory_space<semaphore_mem>>) src(%arg10 : memref<32x512xf32, #tpu.memory_space<vmem>>) dst(%dma_wait3A_164 : memref<32x512xf32, #tpu.memory_space<hbm>>)
    %dma_wait3A_165 = arith.constant 0 : i32
    %dma_wait3A_166 = arith.constant 0 : i32
    %dma_wait3A_167 = tpu.memref_slice %arg4[%add3A_10, %dma_wait3A_165, %mul3A_7, %dma_wait3A_166] : memref<4x3x512x512xf32, #tpu.memory_space<hbm>> -> memref<1x1x32x512xf32, #tpu.memory_space<hbm>>
    %dma_wait3A_168 = tpu.memref_squeeze %dma_wait3A_167 : memref<1x1x32x512xf32, #tpu.memory_space<hbm>> -> memref<32x512xf32, #tpu.memory_space<hbm>>
    %dma_wait3A_169 = arith.constant 0 : i32
    %dma_wait3A_170 = tpu.memref_slice %arg4[%add3A_10, %dma_wait3A_165, %mul3A_7, %dma_wait3A_169] : memref<4x3x512x512xf32, #tpu.memory_space<hbm>> -> memref<1x1x32x512xf32, #tpu.memory_space<hbm>>
    %dma_wait3A_171 = tpu.memref_squeeze %dma_wait3A_170 : memref<1x1x32x512xf32, #tpu.memory_space<hbm>> -> memref<32x512xf32, #tpu.memory_space<hbm>>
    tpu.wait_dma2 semaphore(%arg16 : memref<!tpu.dma_semaphore, #tpu.memory_space<semaphore_mem>>) src(%arg8 : memref<32x512xf32, #tpu.memory_space<vmem>>) dst(%dma_wait3A_171 : memref<32x512xf32, #tpu.memory_space<hbm>>)
    %dma_wait3A_172 = arith.constant 1 : i32
    %dma_wait3A_173 = arith.constant 0 : i32
    %dma_wait3A_174 = tpu.memref_slice %arg4[%add3A_10, %dma_wait3A_172, %mul3A_7, %dma_wait3A_173] : memref<4x3x512x512xf32, #tpu.memory_space<hbm>> -> memref<1x1x32x512xf32, #tpu.memory_space<hbm>>
    %dma_wait3A_175 = tpu.memref_squeeze %dma_wait3A_174 : memref<1x1x32x512xf32, #tpu.memory_space<hbm>> -> memref<32x512xf32, #tpu.memory_space<hbm>>
    %dma_wait3A_176 = arith.constant 0 : i32
    %dma_wait3A_177 = tpu.memref_slice %arg4[%add3A_10, %dma_wait3A_172, %mul3A_7, %dma_wait3A_176] : memref<4x3x512x512xf32, #tpu.memory_space<hbm>> -> memref<1x1x32x512xf32, #tpu.memory_space<hbm>>
    %dma_wait3A_178 = tpu.memref_squeeze %dma_wait3A_177 : memref<1x1x32x512xf32, #tpu.memory_space<hbm>> -> memref<32x512xf32, #tpu.memory_space<hbm>>
    tpu.wait_dma2 semaphore(%arg16 : memref<!tpu.dma_semaphore, #tpu.memory_space<semaphore_mem>>) src(%arg9 : memref<32x512xf32, #tpu.memory_space<vmem>>) dst(%dma_wait3A_178 : memref<32x512xf32, #tpu.memory_space<hbm>>)
    return
  }
}

</mosaic_0001>

<sc_bundles>
// kernel: _run.3.cloned.1.call-start
scs
__scs_entry_jumppad:
0x0: {  	(pc) =	sbr.rel $0x88, $3  }
0x1: {  	(tag) =	ssettag $0x0;
	lr =	simm.s32 $0x1  }
0x2: {  	[smem:$0x3F9F] =	sst lr;
	_ =	strace $0xD0000000  }
0x3: {  	_ = 	snop  }
0x4: {  	_ = 	snop  }
0x5: {  	_ = 	snop  }
0x6: {  	_ = 	snop  }
0x7: {  	_ = 	snop  }
__scs_overlays_trampoline_lowered:
0x8: {  	[smem:$0x3FAE] =	sst s0  }
0x9: {  	[smem:$0x3FAF] =	sst s1  }
0xa: {  	[smem:$0x3FB0] =	sst s2  }
0xb: {  	[smem:$0x3FB1] =	sst s3  }
0xc: {  	[smem:$0x3FB2] =	sst s4  }
0xd: {  	[smem:$0x3FB3] =	sst s5  }
0xe: {  	[smem:$0x3FB4] =	sst s6  }
0xf: {  	[smem:$0x3FB5] =	sst s7  }
0x10: {  	[smem:$0x3FB6] =	sst s8  }
0x11: {  	[smem:$0x3FB7] =	sst s9;
	s0 =	simm.s32 @!p0 $0x0  }
0x12: {  	s1 =	sld [smem:$0x3F9D];
	s0 =	simm.s32 @p0 $0x1  }
0x13: {  	[smem:$0x3FB8] =	sst s0;
	s0 =	simm.s32 @!p1 $0x0  }
0x14: {  	s2 =	sld [smem:$0x3F9C];
	s0 =	simm.s32 @p1 $0x1  }
0x15: {  	[smem:$0x3FB9] =	sst s0;
	s0 =	simm.s32 @!p2 $0x0  }
0x16: {  	s3 =	sld [smem:$0x3FDB];
	s0 =	simm.s32 @p2 $0x1  }
0x17: {  	s4 =	simm.s32 $0x1BF5;
	[smem:$0x3FBB] =	sst s0  }
0x18: {  	s0 =	sld [smem:$0x3F9E];
	_ =	swait.ge [sflag:s4], $0x0  }
0x19: {  	s7 =	sld [smem:$0x3F9F]  }
0x1a: {  	s8 =	sadd.s32 $0xFFFFE003, lr  }
0x1b: {  	s9 =	sadd.s32 $0xFFFFFEF7, lr;
	s5 =	simm.s32 $0xFFFFFFFF;
	p2 =	slt.u32 s8, $0xFFFFF086  }
0x1c: {  	p1 =	slt.u32 s9, $0xF7A;
	s5 =	simm.s32 @!p2 $0x0  }
0x1d: {  	s5 =	simm.s32 @p1 $0x1;
	p0 =	seq.s32 s7, s2  }
0x1e: {  	s7 =	smul.u32 @!p0 $0xF7A, s2;
	p2 =	seq.s32 @!p0 s5, $0x0  }
0x1f: {  	s9 =	smul.u32 $0xF7A, s1;
	s8 =	simm.s32 @!p0 $0x1BF5;
	p2 =	por !p2, p0  }
0x20: {  	[sflag:s8] =	ssyncset.s32 @!p0 $0xFFFFF086;
	s6 =	sadd.s32 @!p0 s3, s7;
	s7 =	simm.s32 @!p0 $0x108  }
0x21: {  	s3 =	sadd.s32 s3, s9;
	s6 =	sadd.s32 @!p0 $0x88, s6;
	s7 =	simm.s32 @p2 $0x1082  }
0x22: {  	[simem:s7], [sflag:s8] =	dma.local @!p0 [hbm:s6], $0xF7A  }
0x23: {  	s9 =	sor.u32 $0xD0000000, s2;
	s6 =	simm.s32 $0x108;
	_ =	swait.ge @!p0 [sflag:s8], $0x0  }
0x24: {  	s3 =	sadd.s32 $0x88, s3;
	s6 =	simm.s32 @!p1 $0x1082;
	[sflag:s4] =	ssyncset.s32 $0xFFFFF086  }
0x25: {  	[simem:s6], [sflag:s4] =	dma.local [hbm:s3], $0xF7A  }
0x26: {  	[smem:$0x3F9F] =	sst s1;
	(tag) =	ssettag s2;
	_ =	strace s9  }
0x27: {  	s1 =	sld [smem:$0x3FAF]  }
0x28: {  	s2 =	sld [smem:$0x3FB0]  }
0x29: {  	s4 =	sld [smem:$0x3FB2]  }
0x2a: {  	p0 =	seq.s32 s5, $0x0;
	s5 =	sld [smem:$0x3FB3]  }
0x2b: {  	s6 =	sld [smem:$0x3FB4]  }
0x2c: {  	s7 =	sld [smem:$0x3FB5]  }
0x2d: {  	s3 =	simm.s32 $0x108;
	s8 =	sld [smem:$0x3FB6]  }
0x2e: {  	s3 =	simm.s32 @!p0 $0x1082;
	s9 =	sld [smem:$0x3FB7]  }
0x2f: {  	lr =	sadd.s32 s0, s3;
	s0 =	sld [smem:$0x3FAE]  }
0x30: {  	s3 =	sld [smem:$0x3FB1]  }
0x31: {  	[smem:$0x3FBA] =	sst s10  }
0x32: {  	s10 =	sld [smem:$0x3FB8];
	_ =	sdelay $0x3  }
0x33: {  	p0 =	seq.s32 s10, $0x1;
	s10 =	sld [smem:$0x3FBA];
	_ =	sdelay $0x3  }
0x34: {  	[smem:$0x3FBA] =	sst s10  }
0x35: {  	s10 =	sld [smem:$0x3FB9];
	_ =	sdelay $0x3  }
0x36: {  	p1 =	seq.s32 s10, $0x1;
	s10 =	sld [smem:$0x3FBA];
	_ =	sdelay $0x3  }
0x37: {  	[smem:$0x3FBA] =	sst s10  }
0x38: {  	s10 =	sld [smem:$0x3FBB]  }
0x39: {  	_ = 	snop;
	(pc) =	sbr.ind lr, $3  }
0x3a: {  	_ = 	snop  }
0x3b: {  	_ = 	snop  }
0x3c: {  	p2 =	seq.s32 s10, $0x1;
	s10 =	sld [smem:$0x3FBA]  }
0x3d: {  	_ =	shalt  }
0x3e: {  	_ =	shalt  }
0x3f: {  	_ =	shalt  }
0x40: {  	_ =	shalt  }
0x41: {  	_ =	shalt  }
0x42: {  	_ =	shalt  }
0x43: {  	_ =	shalt  }
0x44: {  	_ =	shalt  }
0x45: {  	_ =	shalt  }
0x46: {  	_ =	shalt  }
0x47: {  	_ =	shalt  }
0x48: {  	_ =	shalt  }
0x49: {  	_ =	shalt  }
0x4a: {  	_ =	shalt  }
0x4b: {  	_ =	shalt  }
0x4c: {  	_ =	shalt  }
0x4d: {  	_ =	shalt  }
0x4e: {  	_ =	shalt  }
0x4f: {  	_ =	shalt  }
0x50: {  	_ =	shalt  }
0x51: {  	_ =	shalt  }
0x52: {  	_ =	shalt  }
0x53: {  	_ =	shalt  }
0x54: {  	_ =	shalt  }
0x55: {  	_ =	shalt  }
0x56: {  	_ =	shalt  }
0x57: {  	_ =	shalt  }
0x58: {  	_ =	shalt  }
0x59: {  	_ =	shalt  }
0x5a: {  	_ =	shalt  }
0x5b: {  	_ =	shalt  }
0x5c: {  	_ =	shalt  }
0x5d: {  	_ =	shalt  }
0x5e: {  	_ =	shalt  }
0x5f: {  	_ =	shalt  }
0x60: {  	_ =	shalt  }
0x61: {  	_ =	shalt  }
0x62: {  	_ =	shalt  }
0x63: {  	_ =	shalt  }
0x64: {  	_ =	shalt  }
0x65: {  	_ =	shalt  }
0x66: {  	_ =	shalt  }
0x67: {  	_ =	shalt  }
0x68: {  	_ =	shalt  }
0x69: {  	_ =	shalt  }
0x6a: {  	_ =	shalt  }
0x6b: {  	_ =	shalt  }
0x6c: {  	_ =	shalt  }
0x6d: {  	_ =	shalt  }
0x6e: {  	_ =	shalt  }
0x6f: {  	_ =	shalt  }
0x70: {  	_ =	shalt  }
0x71: {  	_ =	shalt  }
0x72: {  	_ =	shalt  }
0x73: {  	_ =	shalt  }
0x74: {  	_ =	shalt  }
0x75: {  	_ =	shalt  }
0x76: {  	_ =	shalt  }
0x77: {  	_ =	shalt  }
0x78: {  	_ =	shalt  }
0x79: {  	_ =	shalt  }
0x7a: {  	_ =	shalt  }
0x7b: {  	_ =	shalt  }
0x7c: {  	_ =	shalt  }
0x7d: {  	_ =	shalt  }
0x7e: {  	_ =	shalt  }
0x7f: {  	_ =	shalt  }
0x80: {  	_ =	shalt  }
0x81: {  	_ =	shalt  }
0x82: {  	_ =	shalt  }
0x83: {  	_ =	shalt  }
0x84: {  	_ =	shalt  }
0x85: {  	_ =	shalt  }
0x86: {  	_ =	shalt  }
0x87: {  	_ =	shalt  }
.Lfunc_end0:
.L_simem_size_0:
called_computation_lowered:
.L_overlay_start_0:
0x88: {  	s2 =	sld [smem:$0x3FD9]  }
0x89: {  	s3 =	sld [smem:$0x3FFE];
	_ =	sdelay $0x1  }
0x8a: {  	s1 =	srdreg.scid  }
0x8b: {  	s0 =	sand.u32 $0x1, s1  }
0x8c: {  	s18 =	sshll.u32 s0, $0xA;
	s2 =	sadd.s32 s3, s2  }
0x8d: {  	s2 =	sadd.s32 s2, s18  }
0x8e: {  	[smem:$0x3FC6] =	sst s2  }
0x8f: {  	_ = 	snop  }
0x90: {  	s2 =	sld [smem:$0x3FC9]  }
0x91: {  	s19 =	sld [smem:$0x3FC8]  }
0x92: {  	s4 =	sld [smem:$0x3FD0];
	(tm) =	ssettm $0x1  }
0x93: {  	s5 =	sld [smem:$0x3FFB];
	_ =	sdelay $0x3  }
0x94: {  	_ =	strace s5  }
0x95: {  	s5 =	sld [smem:$0x3FFC];
	_ =	sdelay $0x3  }
0x96: {  	_ =	strace s5  }
0x97: {  	s5 =	sld [smem:$0x3FFD];
	_ =	sdelay $0x3  }
0x98: {  	_ =	strace s5  }
0x99: {  	_ =	strace $0x8FFFFFFF  }
0x9a: {  	s20 =	sld [smem:$0x3FDB];
	_ =	sdelay $0x1  }
0x9b: {  	s6 =	simm.s32 $_scs_section_size  }
0x9c: {  	s7 =	simm.s32 $_size__tile_overlayer_lowered;
	s8 =	simm.s32 $_tile_overlayer_lowered  }
0x9d: {  	s23 =	simm.s32 $0x1BFF;
	s22 =	sshll.u32 s8, $0x1;
	s5 =	sadd.s32 s6, s20  }
0x9e: {  	s9 =	simm.s32 $0x0;
	s21 =	sshll.u32 s7, $0x1;
	s7 =	sadd.s32 s22, s5  }
0x9f: {  	[timem:s9], [sflag:s23] =	dma.local [hbm:s7], s21  }
0xa0: {  	_ =	swait.ge [sflag:s23], s21  }
0xa1: {  	s6 =	ssub.s32 $0x0, s21;
	[sflag:s23] =	ssyncset.done $0x0  }
0xa2: {  	[sflag:s23] =	ssyncadd.s32 s6;
	_ =	sdelay $0x1  }
0xa3: {  	s24 =	simm.s32 $0x1B8B  }
0xa4: {  	_ =	swait.ge [sflag:s24], $0x1  }
0xa5: {  	[sflag:s24] =	ssyncset.done $0x0  }
0xa6: {  	s25 =	simm.s32 $0x1B8E;
	[sflag:s24] =	ssyncadd.s32 $0xFFFFFFFF  }
0xa7: {  	s26 =	simm.s32 $execute0_lowered;
	[smem:$0x3FD2] =	sst s25  }
0xa8: {  	s6 =	sshll.u32 s26, $0x1;
	_ =	strace $0x80000046;
	[dreg:$0x1] =	wrdreg $0xFFFFFFFF  }
0xa9: {  	s28 =	simm.s32 $_size_execute0_lowered;
	s5 =	sadd.s32 s5, s6;
	[dreg:$0x0] =	wrdreg $0x0  }
0xaa: {  	s6 =	sshll.u32 s28, $0x1;
	[dreg:$0x2] =	wrdreg s5  }
0xab: {  	[dreg:$0x3] =	wrdreg s6  }
0xac: {  	[dreg:$0x4] =	wrdreg $0xC0  }
0xad: {  	_ =	task [dreg:s9], $0x5FFFF  }
0xae: {  	[dreg:$0x1] =	wrdreg $0xFFFFFFFF  }
0xaf: {  	[dreg:$0x0] =	wrdreg $0x60  }
0xb0: {  	[dreg:$0x2] =	wrdreg s2  }
0xb1: {  	[dreg:$0x3] =	wrdreg s19  }
0xb2: {  	[dreg:$0x4] =	wrdreg s4  }
0xb3: {  	[dreg:$0x5] =	wrdreg $0x1C0800  }
0xb4: {  	[dreg:$0x6] =	wrdreg $0x9  }
0xb5: {  	_ =	task.clear_ibuf [dreg:s9], $0x7FFFF;
	_ =	strace $0x90000046  }
0xb6: {  	s29 =	simm.s32 $0x9;
	_ =	strace $0x80000048  }
0xb7: {  	_ =	swait.ge [sflag:s29], $0x1  }
0xb8: {  	[sflag:s29] =	ssyncadd.s32 $0xFFFFFFFF  }
0xb9: {  	_ =	strace $0x90000048  }
0xba: {  	_ =	sfence  }
0xbb: {  	s30 =	sld [smem:$0x0];
	_ =	sdelay $0x2  }
0xbc: {  	s31 =	sshll.u32 s1, $0xD;
	s1 =	sshrl.u32 s1, $0x2  }
0xbd: {  	s3 =	sand.u32 $0x4000, s31;
	s1 =	sadd.s32 s1, s30  }
0xbe: {  	s0 =	sor.u32 s3, s0;
	s1 =	sshll.u32 s1, $0x11  }
0xbf: {  	s0 =	sor.u32 s1, s0  }
0xc0: {  	s0 =	sadd.s32 $0x8F2B, s0  }
0xc1: {  	[sflag:s0] =	ssyncadd.remote.s32 $0x1  }
0xc2: {  	_ =	sfence.sel $0xFFFF  }
0xc3: {  	[dreg:$0x0] =	wrdreg $0xFFFFFFFF;
	(pc) =	sbr.abs _section_cstart, $3  }
0xc4: {  	[dreg:$0x1] =	wrdreg $0xFFFFFFFF  }
0xc5: {  	_ =	task.clear_ibuf [dreg:s9], $0x2FFFF;
	_ =	strace $0x9FFFFFFF  }
0xc6: {  	(tm) =	ssettm $0x7FFFFFFF  }
0xc7: {  	_ =	shalt  }
tec
execute0_lowered:
.L_overlay_start_1:
0x0: {  	(tag) =	ssettag $0x1  }
0x1: {  	s10 =	rddreg [dreg:$0x0]  }
0x2: {  	s5 =	rddreg [dreg:$0x1]  }
0x3: {  	s7 =	rddreg [dreg:$0x2]  }
0x4: {  	s1 =	rddreg [dreg:$0x3]  }
0x5: {  	s0 =	rddreg [dreg:$0x4];
	s2 =	simm.s32 $0x0  }
0x6: {  	s3 =	srdreg.scid;
	s14 =	stileid.u32;
	s15 =	simm.s32 $0x8000  }
0x7: {  	s16 =	simm.s32 $0x14000;
	s17 =	simm.s32 $0x1;
	s18 =	simm.s32 $0xC000  }
0x8: {  	s19 =	simm.s32 $0x10000;
	s20 =	simm.s32 $0x2;
	s21 =	simm.s32 $0x0  }
0x9: {  	[smem:$0x7FF] =	sst s2;
	s3 =	sand.u32 $0x1, s3;
	s8 =	sshll.u32 s14, $0xE  }
0xa: {  	p0 =	sne.s32 s14, $0x0;
	s14 =	simm.s32 $0x4000;
	_ =	strace $0x80000047  }
0xb: {  	s4 =	ssub.s32 $0x2, s3;
	s9 =	sshll.u32 s3, $0x13;
	s11 =	sshllo.u32 s3, $0x1  }
0xc: {  	s12 =	smul.u32 $0x180000, s3;
	s6 =	sshrl.u32 s4, $0x1;
	s9 =	sor.u32 s8, s9  }
0xd: {  	s25 =	smul.u32 $0xC0000, s11;
	s26 =	sshll.u32 s11, $0x12;
	s13 =	ssub.s32 s4, s6  }
0xe: {  	s24 =	sshrl.u32 s9, $0x3;
	s9 =	sor.u32 s8, s26;
	s28 =	sor.u32 s8, s12  }
0xf: {  	s3 =	sadd.s32 s10, s24;
	s4 =	sadd.s32 s5, s24;
	s6 =	sor.u32 s8, s25  }
0x10: {  	s29 =	sshrl.u32 s9, $0x3;
	s30 =	sshrl.u32 s28, $0x3;
	s13 =	smax.u32 s13, $0x1  }
0x11: {  	s31 =	sshrl.u32 s6, $0x3;
	s5 =	sadd.s32 s5, s29;
	s6 =	sadd.s32 s7, s30  }
0x12: {  	v0 =	vlaneseq.u32;
	v4 =	vimm.f32 $0.0e+00;
	s10 =	sadd.s32 s10, s29;
	s7 =	sadd.s32 s7, s31;
	s8 =	sadd.s32 $0x10000, s6  }
0x13: {  	v1 =	vor.u32 $0x10, v0;
	v2 =	vor.u32 $0x20, v0;
	v3 =	vor.u32 $0x30, v0;
	s11 =	sadd.s32 $0x8000, s6;
	s9 =	sadd.s32 $0x10000, s7;
	s12 =	sadd.s32 $0x8000, s7  }
.LBB2_1:
0x14: {  	[tilespmem:s2], [sflag:$0x1] =	stream.linear.gather [hbm4b:s3+s2], $0x4000, $0x38;
	[tilespmem:$0x1C0C0] =	vst v63  }
0x15: {  	_ = 	snop  }
0x16: {  	[tilespmem:s14], [sflag:$0x1] =	stream.linear.gather [hbm4b:s4+s2], $0x4000, $0x38;
	[tilespmem:$0x1C0C0] =	vst v63  }
0x17: {  	_ = 	snop  }
0x18: {  	[tilespmem:s15], [sflag:$0x1] =	stream.linear.gather [hbm4b:s5+s2], $0x4000, $0x38;
	[tilespmem:$0x1C0C0] =	vst v63  }
0x19: {  	[tilespmem:$0x1C000] =	vst v0  }
0x1a: {  	[tilespmem:$0x1C010] =	vst v1  }
0x1b: {  	[tilespmem:$0x1C020] =	vst v2  }
0x1c: {  	[tilespmem:$0x1C030] =	vst v3  }
0x1d: {  	[tilespmem:$0x18000] =	vst v4  }
0x1e: {  	[tilespmem:$0x1A000] =	vst v4  }
0x1f: {  	[tilespmem:$0x18080] =	vst v4  }
0x20: {  	[tilespmem:$0x1A080] =	vst v4  }
0x21: {  	[tilespmem:$0x18100] =	vst v4  }
0x22: {  	[tilespmem:$0x1A100] =	vst v4  }
0x23: {  	[tilespmem:$0x18180] =	vst v4  }
0x24: {  	[tilespmem:$0x1A180] =	vst v4  }
0x25: {  	[tilespmem:$0x18200] =	vst v4  }
0x26: {  	[tilespmem:$0x1A200] =	vst v4  }
0x27: {  	[tilespmem:$0x18280] =	vst v4  }
0x28: {  	[tilespmem:$0x1A280] =	vst v4  }
0x29: {  	[tilespmem:$0x18300] =	vst v4  }
0x2a: {  	[tilespmem:$0x1A300] =	vst v4  }
0x2b: {  	[tilespmem:$0x18380] =	vst v4  }
0x2c: {  	[tilespmem:$0x1A380] =	vst v4  }
0x2d: {  	[tilespmem:$0x18400] =	vst v4  }
0x2e: {  	[tilespmem:$0x1A400] =	vst v4  }
0x2f: {  	[tilespmem:$0x18480] =	vst v4  }
0x30: {  	[tilespmem:$0x1A480] =	vst v4  }
0x31: {  	[tilespmem:$0x18500] =	vst v4  }
0x32: {  	[tilespmem:$0x1A500] =	vst v4  }
0x33: {  	[tilespmem:$0x18580] =	vst v4  }
0x34: {  	[tilespmem:$0x1A580] =	vst v4  }
0x35: {  	[tilespmem:$0x18600] =	vst v4  }
0x36: {  	[tilespmem:$0x1A600] =	vst v4  }
0x37: {  	[tilespmem:$0x18680] =	vst v4  }
0x38: {  	[tilespmem:$0x1A680] =	vst v4  }
0x39: {  	[tilespmem:$0x18700] =	vst v4  }
0x3a: {  	[tilespmem:$0x1A700] =	vst v4  }
0x3b: {  	[tilespmem:$0x18780] =	vst v4  }
0x3c: {  	[tilespmem:$0x1A780] =	vst v4  }
0x3d: {  	[tilespmem:$0x18800] =	vst v4  }
0x3e: {  	[tilespmem:$0x1A800] =	vst v4  }
0x3f: {  	[tilespmem:$0x18880] =	vst v4  }
0x40: {  	[tilespmem:$0x1A880] =	vst v4  }
0x41: {  	[tilespmem:$0x18900] =	vst v4  }
0x42: {  	[tilespmem:$0x1A900] =	vst v4  }
0x43: {  	[tilespmem:$0x18980] =	vst v4  }
0x44: {  	[tilespmem:$0x1A980] =	vst v4  }
0x45: {  	[tilespmem:$0x18A00] =	vst v4  }
0x46: {  	[tilespmem:$0x1AA00] =	vst v4  }
0x47: {  	[tilespmem:$0x18A80] =	vst v4  }
0x48: {  	[tilespmem:$0x1AA80] =	vst v4  }
0x49: {  	[tilespmem:$0x18B00] =	vst v4  }
0x4a: {  	[tilespmem:$0x1AB00] =	vst v4  }
0x4b: {  	[tilespmem:$0x18B80] =	vst v4  }
0x4c: {  	[tilespmem:$0x1AB80] =	vst v4  }
0x4d: {  	[tilespmem:$0x18C00] =	vst v4  }
0x4e: {  	[tilespmem:$0x1AC00] =	vst v4  }
0x4f: {  	[tilespmem:$0x18C80] =	vst v4  }
0x50: {  	[tilespmem:$0x1AC80] =	vst v4  }
0x51: {  	[tilespmem:$0x18D00] =	vst v4  }
0x52: {  	[tilespmem:$0x1AD00] =	vst v4  }
0x53: {  	[tilespmem:$0x18D80] =	vst v4  }
0x54: {  	[tilespmem:$0x1AD80] =	vst v4  }
0x55: {  	[tilespmem:$0x18E00] =	vst v4  }
0x56: {  	[tilespmem:$0x1AE00] =	vst v4  }
0x57: {  	[tilespmem:$0x18E80] =	vst v4  }
0x58: {  	[tilespmem:$0x1AE80] =	vst v4  }
0x59: {  	[tilespmem:$0x18F00] =	vst v4  }
0x5a: {  	[tilespmem:$0x1AF00] =	vst v4  }
0x5b: {  	[tilespmem:$0x18F80] =	vst v4  }
0x5c: {  	[tilespmem:$0x1AF80] =	vst v4  }
0x5d: {  	[tilespmem:$0x19000] =	vst v4  }
0x5e: {  	[tilespmem:$0x1B000] =	vst v4  }
0x5f: {  	[tilespmem:$0x19080] =	vst v4  }
0x60: {  	[tilespmem:$0x1B080] =	vst v4  }
0x61: {  	[tilespmem:$0x19100] =	vst v4  }
0x62: {  	[tilespmem:$0x1B100] =	vst v4  }
0x63: {  	[tilespmem:$0x19180] =	vst v4  }
0x64: {  	[tilespmem:$0x1B180] =	vst v4  }
0x65: {  	[tilespmem:$0x19200] =	vst v4  }
0x66: {  	[tilespmem:$0x1B200] =	vst v4  }
0x67: {  	[tilespmem:$0x19280] =	vst v4  }
0x68: {  	[tilespmem:$0x1B280] =	vst v4  }
0x69: {  	[tilespmem:$0x19300] =	vst v4  }
0x6a: {  	[tilespmem:$0x1B300] =	vst v4  }
0x6b: {  	[tilespmem:$0x19380] =	vst v4  }
0x6c: {  	[tilespmem:$0x1B380] =	vst v4  }
0x6d: {  	[tilespmem:$0x19400] =	vst v4  }
0x6e: {  	[tilespmem:$0x1B400] =	vst v4  }
0x6f: {  	[tilespmem:$0x19480] =	vst v4  }
0x70: {  	[tilespmem:$0x1B480] =	vst v4  }
0x71: {  	[tilespmem:$0x19500] =	vst v4  }
0x72: {  	[tilespmem:$0x1B500] =	vst v4  }
0x73: {  	[tilespmem:$0x19580] =	vst v4  }
0x74: {  	[tilespmem:$0x1B580] =	vst v4  }
0x75: {  	[tilespmem:$0x19600] =	vst v4  }
0x76: {  	[tilespmem:$0x1B600] =	vst v4  }
0x77: {  	[tilespmem:$0x19680] =	vst v4  }
0x78: {  	[tilespmem:$0x1B680] =	vst v4  }
0x79: {  	[tilespmem:$0x19700] =	vst v4  }
0x7a: {  	[tilespmem:$0x1B700] =	vst v4  }
0x7b: {  	[tilespmem:$0x19780] =	vst v4  }
0x7c: {  	[tilespmem:$0x1B780] =	vst v4  }
0x7d: {  	[tilespmem:$0x19800] =	vst v4  }
0x7e: {  	[tilespmem:$0x1B800] =	vst v4  }
0x7f: {  	[tilespmem:$0x19880] =	vst v4  }
0x80: {  	[tilespmem:$0x1B880] =	vst v4  }
0x81: {  	[tilespmem:$0x19900] =	vst v4  }
0x82: {  	[tilespmem:$0x1B900] =	vst v4  }
0x83: {  	[tilespmem:$0x19980] =	vst v4  }
0x84: {  	[tilespmem:$0x1B980] =	vst v4  }
0x85: {  	[tilespmem:$0x19A00] =	vst v4  }
0x86: {  	[tilespmem:$0x1BA00] =	vst v4  }
0x87: {  	[tilespmem:$0x19A80] =	vst v4  }
0x88: {  	[tilespmem:$0x1BA80] =	vst v4  }
0x89: {  	[tilespmem:$0x19B00] =	vst v4  }
0x8a: {  	[tilespmem:$0x1BB00] =	vst v4  }
0x8b: {  	[tilespmem:$0x19B80] =	vst v4  }
0x8c: {  	[tilespmem:$0x1BB80] =	vst v4  }
0x8d: {  	[tilespmem:$0x19C00] =	vst v4  }
0x8e: {  	[tilespmem:$0x1BC00] =	vst v4  }
0x8f: {  	[tilespmem:$0x19C80] =	vst v4  }
0x90: {  	[tilespmem:$0x1BC80] =	vst v4  }
0x91: {  	[tilespmem:$0x19D00] =	vst v4  }
0x92: {  	[tilespmem:$0x1BD00] =	vst v4  }
0x93: {  	[tilespmem:$0x19D80] =	vst v4  }
0x94: {  	[tilespmem:$0x1BD80] =	vst v4  }
0x95: {  	[tilespmem:$0x19E00] =	vst v4  }
0x96: {  	[tilespmem:$0x1BE00] =	vst v4  }
0x97: {  	[tilespmem:$0x19E80] =	vst v4  }
0x98: {  	[tilespmem:$0x1BE80] =	vst v4  }
0x99: {  	[tilespmem:$0x19F00] =	vst v4  }
0x9a: {  	[tilespmem:$0x1BF00] =	vst v4  }
0x9b: {  	[tilespmem:$0x19F80] =	vst v4  }
0x9c: {  	s22 =	simm.s32 @!p0 $0x1A000;
	[tilespmem:$0x1BF80] =	vst v4  }
0x9d: {  	[spmem:s1] =	stream.linear.scatter @!p0 [tilespmem:s22], [sflag:$0x3], $0x2000, $0x38;
	[tilespmem:$0x1C0C0] =	vst v63  }
0x9e: {  	s23 =	simm.s32 @!p0 $0x3;
	s22 =	simm.s32 $0x0  }
0x9f: {  	s25 =	sand.u32 $0xC00, s2;
	_ =	swait.ge @!p0 [sflag:s23], $0x2000;
	s24 =	sand.u32 $0x3000, s22  }
0xa0: {  	s31 =	sand.u32 $0x380, s2;
	[sflag:s23] =	ssyncset.done @!p0 $0x0;
	s24 =	sor.u32 s25, s24  }
0xa1: {  	[sflag:s23] =	ssyncadd.s32 @!p0 $0xFFFFE000;
	s23 =	sor.u32 s31, s24  }
0xa2: {  	[tilespmem:s23+$0x14070] =	vst v4  }
0xa3: {  	[tilespmem:s23+$0x14000] =	vst v4  }
0xa4: {  	[tilespmem:s23+$0x14010] =	vst v4  }
0xa5: {  	s25 =	simm.s32 $0x0;
	s24 =	simm.s32 $0x0;
	[tilespmem:s23+$0x14020] =	vst v4  }
.LBB2_2:
0xa6: {  	s22 =	sadd.s32 $0x80, s22;
	[tilespmem:s23+$0x14030] =	vst v4;
	s24 =	sadd.s32 $0x400, s24  }
0xa7: {  	s25 =	sadd.s32 $0x20, s25;
	s26 =	sand.u32 $0x3000, s22;
	s28 =	sand.u32 $0xC00, s24;
	[tilespmem:s23+$0x14040] =	vst v4  }
0xa8: {  	s29 =	sand.u32 $0x380, s25;
	p1 =	slt.u32 s22, $0x3F80;
	s26 =	sor.u32 s28, s26;
	[tilespmem:s23+$0x14050] =	vst v4  }
.Ltmp0:
0xa9: {  	[tilespmem:s23+$0x14060] =	vst v4;
	s23 =	sor.u32 s29, s26;
	(pc) =	sbr.rel @p1 .LBB2_2-.Ltmp0, $4  }
0xaa: {  	[tilespmem:s23+$0x14070] =	vst v4  }
0xab: {  	[tilespmem:s23+$0x14000] =	vst v4  }
0xac: {  	[tilespmem:s23+$0x14010] =	vst v4  }
0xad: {  	[tilespmem:s23+$0x14020] =	vst v4  }
0xae: {  	[tilespmem:s23+$0x14030] =	vst v4  }
0xaf: {  	[tilespmem:s23+$0x14040] =	vst v4  }
0xb0: {  	[tilespmem:s23+$0x14050] =	vst v4  }
0xb1: {  	[tilespmem:s23+$0x14060] =	vst v4;
	s23 =	simm.s32 $0x0  }
0xb2: {  	[hbm4b:s8+s23] =	stream.linear.scatter [tilespmem:s16], [sflag:$0x2], $0x4000, $0x38;
	[tilespmem:$0x1C0C0] =	vst v63  }
0xb3: {  	_ = 	snop  }
0xb4: {  	[hbm4b:s9+s23] =	stream.linear.scatter [tilespmem:s16], [sflag:$0x2], $0x4000, $0x38;
	[tilespmem:$0x1C0C0] =	vst v63  }
0xb5: {  	_ =	swait.ge [sflag:s17], $0x4000  }
0xb6: {  	[sflag:s17] =	ssyncset.done $0x0  }
0xb7: {  	[sflag:s17] =	ssyncadd.s32 $0xFFFFC000  }
0xb8: {  	_ =	swait.ge [sflag:s17], $0x4000  }
0xb9: {  	[sflag:s17] =	ssyncset.done $0x0  }
0xba: {  	s24 =	simm.s32 $0x0;
	[sflag:s17] =	ssyncadd.s32 $0xFFFFC000  }
0xbb: {  	s22 =	sand.u32 $0x3000, s24;
	s25 =	sand.u32 $0x800, s23;
	_ =	swait.ge [sflag:s17], $0x4000  }
0xbc: {  	s31 =	sand.u32 $0x380, s23;
	s22 =	sor.u32 s22, s25;
	[sflag:s17] =	ssyncset.done $0x0  }
0xbd: {  	s22 =	sor.u32 s31, s22;
	[sflag:s17] =	ssyncadd.s32 $0xFFFFC000  }
0xbe: {  	v5 =	vld [tilespmem:s22+$0x470]  }
0xbf: {  	v6 =	vld [tilespmem:s22+$0x4470]  }
0xc0: {  	v7 =	vld [tilespmem:s22+$0x0]  }
0xc1: {  	v8 =	vld [tilespmem:s22+$0x4000]  }
0xc2: {  	v9 =	vld [tilespmem:s22+$0x10]  }
0xc3: {  	v10 =	vld [tilespmem:s22+$0x4010]  }
0xc4: {  	v11 =	vld [tilespmem:s22+$0x20]  }
0xc5: {  	v12 =	vld [tilespmem:s22+$0x4020]  }
0xc6: {  	v13 =	vld [tilespmem:s22+$0x30]  }
0xc7: {  	v14 =	vld [tilespmem:s22+$0x4030]  }
0xc8: {  	v15 =	vld [tilespmem:s22+$0x40]  }
0xc9: {  	v16 =	vld [tilespmem:s22+$0x4040]  }
0xca: {  	v17 =	vld [tilespmem:s22+$0x50]  }
0xcb: {  	v18 =	vld [tilespmem:s22+$0x4050]  }
0xcc: {  	v19 =	vld [tilespmem:s22+$0x60]  }
0xcd: {  	v20 =	vld [tilespmem:s22+$0x4060]  }
0xce: {  	v61 =	vld [tilespmem:s22+$0x4410];
	vm0 =	vgt.f32 v5, $0.0e+00;
	v5 =	vadd.s32 $0x400, v6  }
0xcf: {  	v6 =	vld [tilespmem:s22+$0x70];
	vm1 =	vgt.f32 v7, $0.0e+00;
	v7 =	vadd.s32 $0x400, v8;
	v5 =	vnsel vm0, $0x0, v5  }
0xd0: {  	v8 =	vld [tilespmem:s22+$0x4070];
	vm0 =	vgt.f32 v9, $0.0e+00;
	[tilespmem:s22+$0x4470] =	vst v5;
	v5 =	vnsel vm1, $0x0, v7;
	v7 =	vadd.s32 $0x400, v10  }
0xd1: {  	v9 =	vld [tilespmem:s22+$0x400];
	[tilespmem:s22+$0x4000] =	vst v5;
	v5 =	vnsel vm0, $0x0, v7;
	vm0 =	vgt.f32 v11, $0.0e+00;
	v7 =	vadd.s32 $0x400, v12  }
0xd2: {  	v10 =	vld [tilespmem:s22+$0x4400];
	[tilespmem:s22+$0x4010] =	vst v5;
	v5 =	vnsel vm0, $0x0, v7;
	vm0 =	vgt.f32 v13, $0.0e+00;
	v7 =	vadd.s32 $0x400, v14  }
0xd3: {  	v11 =	vld [tilespmem:s22+$0x410];
	[tilespmem:s22+$0x4020] =	vst v5;
	v5 =	vnsel vm0, $0x0, v7;
	vm0 =	vgt.f32 v15, $0.0e+00;
	v7 =	vadd.s32 $0x400, v16  }
0xd4: {  	v62 =	vld [tilespmem:s22+$0x420];
	[tilespmem:s22+$0x4030] =	vst v5;
	v5 =	vnsel vm0, $0x0, v7;
	vm0 =	vgt.f32 v17, $0.0e+00;
	v7 =	vadd.s32 $0x400, v18  }
0xd5: {  	v63 =	vadd.s32 $0x400, v20;
	[tilespmem:s22+$0x4040] =	vst v5;
	v5 =	vnsel vm0, $0x0, v7;
	vm0 =	vgt.f32 v19, $0.0e+00;
	v7 =	vld [tilespmem:s22+$0x4420]  }
0xd6: {  	[tilespmem:s22+$0x4050] =	vst v5;
	v14 =	vnsel vm0, $0x0, v63;
	vm0 =	vgt.f32 v6, $0.0e+00;
	v6 =	vadd.s32 $0x400, v8;
	v5 =	vld [tilespmem:s22+$0x430]  }
0xd7: {  	[tilespmem:s22+$0x4060] =	vst v14;
	v8 =	vnsel vm0, $0x0, v6;
	vm0 =	vgt.f32 v9, $0.0e+00;
	v9 =	vadd.s32 $0x400, v10;
	v6 =	vld [tilespmem:s22+$0x4430]  }
0xd8: {  	v10 =	vadd.s32 $0x400, v61;
	[tilespmem:s22+$0x4070] =	vst v8;
	v9 =	vnsel vm0, $0x0, v9;
	vm0 =	vgt.f32 v11, $0.0e+00;
	v8 =	vld [tilespmem:s22+$0x440]  }
0xd9: {  	s25 =	simm.s32 $0x0;
	[tilespmem:s22+$0x4400] =	vst v9;
	v10 =	vnsel vm0, $0x0, v10;
	vm0 =	vgt.f32 v62, $0.0e+00;
	v9 =	vld [tilespmem:s22+$0x4440]  }
.LBB2_4:
0xda: {  	s24 =	sadd.s32 $0x100, s24;
	[tilespmem:s22+$0x4410] =	vst v10;
	v7 =	vadd.s32 $0x400, v7;
	v10 =	vld [tilespmem:s22+$0x450];
	s23 =	sadd.s32 $0x800, s23  }
0xdb: {  	s25 =	sadd.s32 $0x40, s25;
	s26 =	sand.u32 $0x3000, s24;
	s28 =	sand.u32 $0x800, s23;
	v7 =	vnsel vm0, $0x0, v7;
	vm0 =	vgt.f32 v5, $0.0e+00;
	v5 =	vld [tilespmem:s22+$0x4450]  }
0xdc: {  	p1 =	slt.u32 s24, $0x3F00;
	s26 =	sor.u32 s26, s28;
	s28 =	sand.u32 $0x380, s25;
	[tilespmem:s22+$0x4420] =	vst v7;
	v6 =	vadd.s32 $0x400, v6;
	v7 =	vld [tilespmem:s22+$0x460]  }
0xdd: {  	s26 =	sor.u32 s28, s26;
	v6 =	vnsel vm0, $0x0, v6;
	vm0 =	vgt.f32 v8, $0.0e+00;
	v8 =	vld [tilespmem:s22+$0x4460]  }
0xde: {  	v11 =	vld [tilespmem:s26+$0x470];
	[tilespmem:s22+$0x4430] =	vst v6;
	v6 =	vadd.s32 $0x400, v9  }
0xdf: {  	v9 =	vld [tilespmem:s26+$0x4470];
	v6 =	vnsel vm0, $0x0, v6;
	vm0 =	vgt.f32 v10, $0.0e+00  }
0xe0: {  	v10 =	vld [tilespmem:s26+$0x0];
	[tilespmem:s22+$0x4440] =	vst v6;
	v5 =	vadd.s32 $0x400, v5  }
0xe1: {  	v6 =	vld [tilespmem:s26+$0x4000];
	v5 =	vnsel vm0, $0x0, v5;
	vm0 =	vgt.f32 v7, $0.0e+00  }
0xe2: {  	v7 =	vld [tilespmem:s26+$0x10];
	[tilespmem:s22+$0x4450] =	vst v5;
	v5 =	vadd.s32 $0x400, v8  }
0xe3: {  	v8 =	vld [tilespmem:s26+$0x4010];
	v5 =	vnsel vm0, $0x0, v5  }
0xe4: {  	vm0 =	vgt.f32 v11, $0.0e+00;
	v12 =	vld [tilespmem:s26+$0x20];
	v9 =	vadd.s32 $0x400, v9;
	[tilespmem:s22+$0x4460] =	vst v5;
	s22 =	smov.u32 s26  }
0xe5: {  	vm1 =	vgt.f32 v10, $0.0e+00;
	v5 =	vld [tilespmem:s22+$0x4020];
	v9 =	vnsel vm0, $0x0, v9  }
0xe6: {  	v6 =	vadd.s32 $0x400, v6;
	v10 =	vld [tilespmem:s22+$0x30];
	[tilespmem:s22+$0x4470] =	vst v9  }
0xe7: {  	v6 =	vnsel vm1, $0x0, v6;
	vm0 =	vgt.f32 v7, $0.0e+00;
	v7 =	vld [tilespmem:s22+$0x4030]  }
0xe8: {  	[tilespmem:s22+$0x4000] =	vst v6;
	v6 =	vadd.s32 $0x400, v8;
	v8 =	vld [tilespmem:s22+$0x40]  }
0xe9: {  	v6 =	vnsel vm0, $0x0, v6;
	vm0 =	vgt.f32 v12, $0.0e+00;
	v9 =	vld [tilespmem:s22+$0x4040]  }
0xea: {  	[tilespmem:s22+$0x4010] =	vst v6;
	v5 =	vadd.s32 $0x400, v5;
	v6 =	vld [tilespmem:s22+$0x50]  }
0xeb: {  	v5 =	vnsel vm0, $0x0, v5;
	vm0 =	vgt.f32 v10, $0.0e+00;
	v10 =	vld [tilespmem:s22+$0x4050]  }
0xec: {  	[tilespmem:s22+$0x4020] =	vst v5;
	v5 =	vadd.s32 $0x400, v7;
	v7 =	vld [tilespmem:s22+$0x60]  }
0xed: {  	v5 =	vnsel vm0, $0x0, v5;
	vm0 =	vgt.f32 v8, $0.0e+00;
	v8 =	vld [tilespmem:s22+$0x4060]  }
0xee: {  	[tilespmem:s22+$0x4030] =	vst v5;
	v5 =	vadd.s32 $0x400, v9;
	v9 =	vld [tilespmem:s22+$0x70]  }
0xef: {  	v5 =	vnsel vm0, $0x0, v5;
	vm0 =	vgt.f32 v6, $0.0e+00;
	v6 =	vld [tilespmem:s22+$0x4070]  }
0xf0: {  	[tilespmem:s22+$0x4040] =	vst v5;
	v5 =	vadd.s32 $0x400, v10;
	v10 =	vld [tilespmem:s22+$0x400]  }
0xf1: {  	v5 =	vnsel vm0, $0x0, v5;
	vm0 =	vgt.f32 v7, $0.0e+00;
	v11 =	vld [tilespmem:s22+$0x4400]  }
0xf2: {  	[tilespmem:s22+$0x4050] =	vst v5;
	v5 =	vadd.s32 $0x400, v8;
	v8 =	vld [tilespmem:s22+$0x410]  }
0xf3: {  	v5 =	vnsel vm0, $0x0, v5;
	vm0 =	vgt.f32 v9, $0.0e+00;
	v9 =	vld [tilespmem:s22+$0x4410]  }
0xf4: {  	[tilespmem:s22+$0x4060] =	vst v5;
	v5 =	vadd.s32 $0x400, v6;
	v12 =	vld [tilespmem:s22+$0x420]  }
.Ltmp1:
0xf5: {  	v5 =	vnsel vm0, $0x0, v5;
	vm0 =	vgt.f32 v10, $0.0e+00;
	v7 =	vld [tilespmem:s22+$0x4420];
	(pc) =	sbr.rel @p1 .LBB2_4-.Ltmp1, $4  }
0xf6: {  	[tilespmem:s22+$0x4070] =	vst v5;
	v6 =	vadd.s32 $0x400, v11;
	v5 =	vld [tilespmem:s22+$0x430]  }
0xf7: {  	v10 =	vnsel vm0, $0x0, v6;
	vm0 =	vgt.f32 v8, $0.0e+00;
	v6 =	vld [tilespmem:s22+$0x4430]  }
0xf8: {  	[tilespmem:s22+$0x4400] =	vst v10;
	v9 =	vadd.s32 $0x400, v9;
	v8 =	vld [tilespmem:s22+$0x440]  }
0xf9: {  	v10 =	vnsel vm0, $0x0, v9;
	vm0 =	vgt.f32 v12, $0.0e+00;
	v9 =	vld [tilespmem:s22+$0x4440]  }
0xfa: {  	v11 =	vld [tilespmem:s22+$0x450]  }
0xfb: {  	v12 =	vld [tilespmem:s22+$0x4450]  }
0xfc: {  	v13 =	vld [tilespmem:s22+$0x460]  }
0xfd: {  	v14 =	vld [tilespmem:s22+$0x4460]  }
0xfe: {  	v7 =	vadd.s32 $0x400, v7  }
0xff: {  	[tilespmem:s22+$0x4410] =	vst v10;
	v7 =	vnsel vm0, $0x0, v7;
	vm0 =	vgt.f32 v5, $0.0e+00;
	v5 =	vadd.s32 $0x400, v6  }
0x100: {  	[tilespmem:s22+$0x4420] =	vst v7;
	v5 =	vnsel vm0, $0x0, v5;
	vm0 =	vgt.f32 v8, $0.0e+00;
	v6 =	vadd.s32 $0x400, v9  }
0x101: {  	[tilespmem:s22+$0x4430] =	vst v5;
	v5 =	vnsel vm0, $0x0, v6;
	vm0 =	vgt.f32 v11, $0.0e+00;
	v6 =	vadd.s32 $0x400, v12  }
0x102: {  	[tilespmem:s22+$0x4440] =	vst v5;
	v5 =	vnsel vm0, $0x0, v6;
	vm0 =	vgt.f32 v13, $0.0e+00;
	v6 =	vadd.s32 $0x400, v14  }
0x103: {  	[tilespmem:s22+$0x4450] =	vst v5;
	v5 =	vnsel vm0, $0x0, v6  }
0x104: {  	[tilespmem:s22+$0x4460] =	vst v5  }
0x105: {  	s23 =	simm.s32 $0x0;
	s24 =	simm.s32 $0x0;
	[bflag:$0x0] =	sbarrier.arrive $0xFFFF  }
0x106: {  	[tilespmem:s23], [sflag:$0x1] =	stream.linear.gather [hbm4b:s10+s23], $0x4000, $0x38;
	[tilespmem:$0x1C0C0] =	vst v63  }
0x107: {  	s30 =	sand.u32 $0x3000, s24;
	s25 =	sand.u32 $0x800, s23;
	_ =	swait.ge [sflag:s17], $0x4000  }
0x108: {  	s31 =	sand.u32 $0x380, s23;
	s22 =	sor.u32 s30, s25;
	[sflag:s17] =	ssyncset.done $0x0  }
0x109: {  	s22 =	sor.u32 s31, s22;
	[sflag:s17] =	ssyncadd.s32 $0xFFFFC000  }
0x10a: {  	v5 =	vld [tilespmem:s22+$0x4470]  }
0x10b: {  	v6 =	vld [tilespmem:s22+$0x4000]  }
0x10c: {  	v7 =	vld [tilespmem:s22+$0x4010]  }
0x10d: {  	v8 =	vld [tilespmem:s22+$0x4020]  }
0x10e: {  	v9 =	vld [tilespmem:s22+$0x4030]  }
0x10f: {  	v10 =	vld [tilespmem:s22+$0x4040];
	vm0 =	vgt.s32 v5, $0x3FF  }
0x110: {  	v18 =	vld [tilespmem:s22+$0x4440];
	vm1 =	vgt.s32 v6, $0x3FF;
	v6 =	vsel vm0, $0x3F800000, v4  }
0x111: {  	v20 =	vld [tilespmem:s22+$0x4450];
	v11 =	vsel vm1, $0x3F800000, v4;
	vm0 =	vgt.s32 v7, $0x3FF;
	[tilespmem:s22+$0x10470] =	vst v6  }
0x112: {  	v21 =	vld [tilespmem:s22+$0x0];
	v6 =	vsub.f32 $1.000000000e+00, v6;
	[tilespmem:s22+$0x10000] =	vst v11;
	v12 =	vsel vm0, $0x3F800000, v4  }
0x113: {  	v5 =	vld [tilespmem:s22+$0x4050];
	v11 =	vsub.f32 $1.000000000e+00, v11;
	[tilespmem:s22+$0x10010] =	vst v12  }
0x114: {  	v7 =	vld [tilespmem:s22+$0x4060];
	vm0 =	vgt.s32 v8, $0x3FF;
	[tilespmem:s22+$0xC470] =	vst v6  }
0x115: {  	v8 =	vld [tilespmem:s22+$0x4070];
	v13 =	vsub.f32 $1.000000000e+00, v12;
	v14 =	vsel vm0, $0x3F800000, v4;
	[tilespmem:s22+$0xC000] =	vst v11  }
0x116: {  	vm0 =	vgt.s32 v9, $0x3FF;
	v9 =	vld [tilespmem:s22+$0x4400];
	[tilespmem:s22+$0x10020] =	vst v14  }
0x117: {  	v6 =	vsub.f32 $1.000000000e+00, v14;
	v11 =	vsel vm0, $0x3F800000, v4;
	vm0 =	vgt.s32 v10, $0x3FF;
	v10 =	vld [tilespmem:s22+$0x4410];
	[tilespmem:s22+$0xC010] =	vst v13  }
0x118: {  	v13 =	vsub.f32 $1.000000000e+00, v11;
	v15 =	vsel vm0, $0x3F800000, v4;
	vm0 =	vgt.s32 v5, $0x3FF;
	v5 =	vld [tilespmem:s22+$0x4420];
	[tilespmem:s22+$0x10030] =	vst v11  }
0x119: {  	[tilespmem:s22+$0xC020] =	vst v6;
	v6 =	vsub.f32 $1.000000000e+00, v15;
	v16 =	vsel vm0, $0x3F800000, v4;
	vm0 =	vgt.s32 v7, $0x3FF;
	v7 =	vld [tilespmem:s22+$0x4430]  }
0x11a: {  	v23 =	vld [tilespmem:s22+$0x8000];
	[tilespmem:s22+$0xC030] =	vst v13;
	v13 =	vsub.f32 $1.000000000e+00, v16;
	v17 =	vsel vm0, $0x3F800000, v4;
	vm0 =	vgt.s32 v8, $0x3FF  }
0x11b: {  	v24 =	vld [tilespmem:s22+$0x10];
	[tilespmem:s22+$0xC040] =	vst v6;
	v6 =	vsub.f32 $1.000000000e+00, v17;
	v19 =	vsel vm0, $0x3F800000, v4;
	vm0 =	vgt.s32 v9, $0x3FF  }
0x11c: {  	[tilespmem:s22+$0xC050] =	vst v13;
	v8 =	vsub.f32 $1.000000000e+00, v19;
	v13 =	vsel vm0, $0x3F800000, v4;
	vm0 =	vgt.s32 v10, $0x3FF;
	v10 =	vld [tilespmem:s22+$0x4460]  }
0x11d: {  	v52 =	vld [tilespmem:s22+$0x8010];
	[tilespmem:s22+$0xC060] =	vst v6;
	v6 =	vsub.f32 $1.000000000e+00, v13;
	v22 =	vsel vm0, $0x3F800000, v4;
	vm0 =	vgt.s32 v5, $0x3FF  }
0x11e: {  	v53 =	vld [tilespmem:s22+$0x20];
	[tilespmem:s22+$0xC070] =	vst v8;
	v9 =	vsel vm0, $0x3F800000, v4;
	vm0 =	vgt.s32 v7, $0x3FF  }
0x11f: {  	v27 =	vld [tilespmem:s22+$0x30];
	[tilespmem:s22+$0xC400] =	vst v6;
	v6 =	vsub.f32 $1.000000000e+00, v9;
	v8 =	vsel vm0, $0x3F800000, v4;
	vm0 =	vgt.s32 v18, $0x3FF  }
0x120: {  	v56 =	vld [tilespmem:s22+$0x8030];
	[tilespmem:s22+$0x10040] =	vst v15;
	v5 =	vsub.f32 $1.000000000e+00, v22;
	v7 =	vsel vm0, $0x3F800000, v4;
	vm0 =	vgt.s32 v20, $0x3FF  }
0x121: {  	[tilespmem:s22+$0xC420] =	vst v6;
	v6 =	vsel vm0, $0x3F800000, v4;
	vm0 =	vgt.s32 v10, $0x3FF;
	v10 =	vld [tilespmem:s22+$0x8020]  }
0x122: {  	v57 =	vld [tilespmem:s22+$0x40];
	[tilespmem:s22+$0xC410] =	vst v5;
	v5 =	vsub.f32 $1.000000000e+00, v8  }
0x123: {  	v58 =	vld [tilespmem:s22+$0x8040];
	[tilespmem:s22+$0x10050] =	vst v16  }
0x124: {  	v59 =	vld [tilespmem:s22+$0x8050];
	v55 =	vadd.s32 $0x400, v23;
	[tilespmem:s22+$0xC430] =	vst v5;
	v5 =	vsel vm0, $0x3F800000, v4;
	vm0 =	vgt.f32 v21, $0.0e+00  }
0x125: {  	v61 =	vld [tilespmem:s22+$0x8070];
	[tilespmem:s22+$0x10060] =	vst v17;
	v18 =	vadd.s32 $0x400, v52;
	v21 =	vnsel vm0, $0x0, v55;
	vm0 =	vgt.f32 v24, $0.0e+00  }
0x126: {  	v12 =	vld [tilespmem:s22+$0x50];
	[tilespmem:s22+$0x10070] =	vst v19;
	v18 =	vnsel vm0, $0x0, v18;
	vm0 =	vgt.f32 v53, $0.0e+00;
	v10 =	vadd.s32 $0x400, v10  }
0x127: {  	v14 =	vld [tilespmem:s22+$0x60];
	[tilespmem:s22+$0x10400] =	vst v13;
	v10 =	vnsel vm0, $0x0, v10  }
0x128: {  	v25 =	vsub.f32 $1.000000000e+00, v7;
	[tilespmem:s22+$0x8020] =	vst v10;
	v10 =	vld [tilespmem:s22+$0x8060]  }
0x129: {  	v62 =	vld [tilespmem:s22+$0x8400];
	v60 =	vadd.s32 $0x400, v56;
	[tilespmem:s22+$0x10410] =	vst v22  }
0x12a: {  	v11 =	vld [tilespmem:s22+$0x70];
	v26 =	vsub.f32 $1.000000000e+00, v6;
	[tilespmem:s22+$0xC440] =	vst v25;
	v54 =	vsub.f32 $1.000000000e+00, v5;
	vm0 =	vgt.f32 v27, $0.0e+00  }
0x12b: {  	v15 =	vld [tilespmem:s22+$0x400];
	[tilespmem:s22+$0x8000] =	vst v21;
	v21 =	vadd.s32 $0x400, v58;
	v20 =	vnsel vm0, $0x0, v60;
	vm0 =	vgt.f32 v57, $0.0e+00  }
0x12c: {  	v16 =	vld [tilespmem:s22+$0x410];
	[tilespmem:s22+$0xC450] =	vst v26;
	v21 =	vnsel vm0, $0x0, v21;
	vm0 =	vgt.f32 v12, $0.0e+00;
	v12 =	vadd.s32 $0x400, v59  }
0x12d: {  	v17 =	vld [tilespmem:s22+$0x420];
	[tilespmem:s22+$0xC460] =	vst v54;
	v12 =	vnsel vm0, $0x0, v12;
	vm0 =	vgt.f32 v14, $0.0e+00;
	v10 =	vadd.s32 $0x400, v10  }
0x12e: {  	[tilespmem:s22+$0x8050] =	vst v12;
	v12 =	vld [tilespmem:s22+$0x8410];
	v10 =	vnsel vm0, $0x0, v10  }
0x12f: {  	[tilespmem:s22+$0x8060] =	vst v10;
	v10 =	vld [tilespmem:s22+$0x8420]  }
0x130: {  	v63 =	vld [tilespmem:s22+$0x430];
	[tilespmem:s22+$0x8010] =	vst v18;
	vm0 =	vgt.f32 v11, $0.0e+00;
	v11 =	vadd.s32 $0x400, v61  }
0x131: {  	[tilespmem:s22+$0x8030] =	vst v20;
	v14 =	vld [tilespmem:s22+$0x8430];
	v11 =	vnsel vm0, $0x0, v11  }
0x132: {  	vm0 =	vgt.f32 v15, $0.0e+00;
	v15 =	vadd.s32 $0x400, v62;
	[tilespmem:s22+$0x8070] =	vst v11;
	v11 =	vld [tilespmem:s22+$0x440]  }
0x133: {  	[tilespmem:s22+$0x8040] =	vst v21;
	v15 =	vnsel vm0, $0x0, v15;
	vm0 =	vgt.f32 v16, $0.0e+00;
	v13 =	vadd.s32 $0x400, v12;
	v12 =	vld [tilespmem:s22+$0x8440]  }
0x134: {  	[tilespmem:s22+$0x8400] =	vst v15;
	v13 =	vnsel vm0, $0x0, v13;
	vm0 =	vgt.f32 v17, $0.0e+00;
	v15 =	vadd.s32 $0x400, v10;
	v10 =	vld [tilespmem:s22+$0x450]  }
0x135: {  	s25 =	simm.s32 $0x0;
	[tilespmem:s22+$0x8410] =	vst v13;
	v13 =	vld [tilespmem:s22+$0x8450];
	v15 =	vnsel vm0, $0x0, v15;
	vm0 =	vgt.f32 v63, $0.0e+00  }
.LBB2_6:
0x136: {  	s24 =	sadd.s32 $0x100, s24;
	[tilespmem:s22+$0x10420] =	vst v9;
	v9 =	vadd.s32 $0x400, v14;
	v14 =	vld [tilespmem:s22+$0x460];
	s23 =	sadd.s32 $0x800, s23  }
0x137: {  	s25 =	sadd.s32 $0x40, s25;
	s26 =	sand.u32 $0x3000, s24;
	s28 =	sand.u32 $0x800, s23;
	[tilespmem:s22+$0x8420] =	vst v15;
	v9 =	vnsel vm0, $0x0, v9;
	vm0 =	vgt.f32 v11, $0.0e+00;
	v11 =	vld [tilespmem:s22+$0x8460]  }
0x138: {  	p1 =	slt.u32 s24, $0x3F00;
	s26 =	sor.u32 s26, s28;
	s28 =	sand.u32 $0x380, s25;
	[tilespmem:s22+$0x10430] =	vst v8;
	v8 =	vadd.s32 $0x400, v12;
	v12 =	vld [tilespmem:s22+$0x470]  }
0x139: {  	s26 =	sor.u32 s28, s26;
	[tilespmem:s22+$0x8430] =	vst v9;
	v8 =	vnsel vm0, $0x0, v8;
	vm0 =	vgt.f32 v10, $0.0e+00;
	v9 =	vld [tilespmem:s22+$0x8470]  }
0x13a: {  	v10 =	vld [tilespmem:s26+$0x4470];
	[tilespmem:s22+$0x10440] =	vst v7;
	v7 =	vadd.s32 $0x400, v13  }
0x13b: {  	v13 =	vld [tilespmem:s26+$0x4000];
	[tilespmem:s22+$0x8440] =	vst v8;
	v7 =	vnsel vm0, $0x0, v7;
	vm0 =	vgt.f32 v14, $0.0e+00  }
0x13c: {  	v8 =	vld [tilespmem:s26+$0x4010];
	[tilespmem:s22+$0x10450] =	vst v6;
	v6 =	vadd.s32 $0x400, v11  }
0x13d: {  	v11 =	vld [tilespmem:s26+$0x4020];
	[tilespmem:s22+$0x8450] =	vst v7;
	v6 =	vnsel vm0, $0x0, v6;
	vm0 =	vgt.f32 v12, $0.0e+00  }
0x13e: {  	v7 =	vld [tilespmem:s26+$0x4030];
	[tilespmem:s22+$0x10460] =	vst v5;
	v5 =	vadd.s32 $0x400, v9  }
0x13f: {  	v9 =	vld [tilespmem:s26+$0x4040];
	vm1 =	vgt.s32 v10, $0x3FF;
	[tilespmem:s22+$0x8460] =	vst v6;
	v5 =	vnsel vm0, $0x0, v5  }
0x140: {  	vm0 =	vgt.s32 v13, $0x3FF;
	v6 =	vld [tilespmem:s26+$0x4050];
	v10 =	vsel vm1, $0x3F800000, v4;
	[tilespmem:s22+$0x8470] =	vst v5;
	s22 =	smov.u32 s26  }
0x141: {  	v5 =	vsel vm0, $0x3F800000, v4;
	vm0 =	vgt.s32 v8, $0x3FF;
	v8 =	vld [tilespmem:s22+$0x4060];
	[tilespmem:s22+$0x10470] =	vst v10;
	v10 =	vsub.f32 $1.000000000e+00, v10  }
0x142: {  	[tilespmem:s22+$0x10000] =	vst v5;
	v5 =	vsub.f32 $1.000000000e+00, v5;
	v12 =	vsel vm0, $0x3F800000, v4;
	vm0 =	vgt.s32 v11, $0x3FF;
	v11 =	vld [tilespmem:s22+$0x4070]  }
0x143: {  	v13 =	vsub.f32 $1.000000000e+00, v12;
	v14 =	vsel vm0, $0x3F800000, v4;
	vm0 =	vgt.s32 v7, $0x3FF;
	v7 =	vld [tilespmem:s22+$0x4400];
	[tilespmem:s22+$0xC470] =	vst v10  }
0x144: {  	[tilespmem:s22+$0xC000] =	vst v5;
	v5 =	vsub.f32 $1.000000000e+00, v14;
	v10 =	vsel vm0, $0x3F800000, v4;
	vm0 =	vgt.s32 v9, $0x3FF;
	v9 =	vld [tilespmem:s22+$0x4410]  }
0x145: {  	[tilespmem:s22+$0xC010] =	vst v13;
	v13 =	vsub.f32 $1.000000000e+00, v10;
	v15 =	vsel vm0, $0x3F800000, v4;
	vm0 =	vgt.s32 v6, $0x3FF;
	v6 =	vld [tilespmem:s22+$0x4420]  }
0x146: {  	[tilespmem:s22+$0xC020] =	vst v5;
	v5 =	vsub.f32 $1.000000000e+00, v15;
	v16 =	vsel vm0, $0x3F800000, v4;
	vm0 =	vgt.s32 v8, $0x3FF;
	v8 =	vld [tilespmem:s22+$0x4430]  }
0x147: {  	[tilespmem:s22+$0xC030] =	vst v13;
	v13 =	vsub.f32 $1.000000000e+00, v16;
	v17 =	vsel vm0, $0x3F800000, v4;
	vm0 =	vgt.s32 v11, $0x3FF;
	v11 =	vld [tilespmem:s22+$0x4440]  }
0x148: {  	[tilespmem:s22+$0xC040] =	vst v5;
	v5 =	vsub.f32 $1.000000000e+00, v17;
	v18 =	vsel vm0, $0x3F800000, v4;
	vm0 =	vgt.s32 v7, $0x3FF;
	v19 =	vld [tilespmem:s22+$0x4450]  }
0x149: {  	[tilespmem:s22+$0xC050] =	vst v13;
	v7 =	vsub.f32 $1.000000000e+00, v18;
	v13 =	vsel vm0, $0x3F800000, v4;
	vm0 =	vgt.s32 v9, $0x3FF;
	v20 =	vld [tilespmem:s22+$0x4460]  }
0x14a: {  	v21 =	vld [tilespmem:s22+$0x0];
	[tilespmem:s22+$0xC060] =	vst v5;
	v5 =	vsub.f32 $1.000000000e+00, v13;
	v22 =	vsel vm0, $0x3F800000, v4;
	vm0 =	vgt.s32 v6, $0x3FF  }
0x14b: {  	v23 =	vld [tilespmem:s22+$0x8000];
	[tilespmem:s22+$0xC070] =	vst v7;
	v6 =	vsub.f32 $1.000000000e+00, v22;
	v9 =	vsel vm0, $0x3F800000, v4;
	vm0 =	vgt.s32 v8, $0x3FF  }
0x14c: {  	v24 =	vld [tilespmem:s22+$0x10];
	[tilespmem:s22+$0xC400] =	vst v5;
	v5 =	vsub.f32 $1.000000000e+00, v9;
	v8 =	vsel vm0, $0x3F800000, v4;
	vm0 =	vgt.s32 v11, $0x3FF  }
0x14d: {  	v11 =	vld [tilespmem:s22+$0x8010];
	[tilespmem:s22+$0xC410] =	vst v6;
	v25 =	vsub.f32 $1.000000000e+00, v8;
	v7 =	vsel vm0, $0x3F800000, v4;
	vm0 =	vgt.s32 v19, $0x3FF  }
0x14e: {  	v19 =	vld [tilespmem:s22+$0x20];
	[tilespmem:s22+$0xC420] =	vst v5;
	v26 =	vsub.f32 $1.000000000e+00, v7;
	v6 =	vsel vm0, $0x3F800000, v4;
	vm0 =	vgt.s32 v20, $0x3FF  }
0x14f: {  	vm1 =	vgt.f32 v21, $0.0e+00;
	v20 =	vld [tilespmem:s22+$0x8020];
	[tilespmem:s22+$0xC430] =	vst v25;
	v21 =	vsub.f32 $1.000000000e+00, v6;
	v5 =	vsel vm0, $0x3F800000, v4  }
0x150: {  	v23 =	vadd.s32 $0x400, v23;
	v25 =	vld [tilespmem:s22+$0x30];
	[tilespmem:s22+$0xC440] =	vst v26;
	v26 =	vsub.f32 $1.000000000e+00, v5  }
0x151: {  	v23 =	vnsel vm1, $0x0, v23;
	vm0 =	vgt.f32 v24, $0.0e+00;
	v24 =	vld [tilespmem:s22+$0x8030];
	[tilespmem:s22+$0xC450] =	vst v21  }
0x152: {  	v11 =	vadd.s32 $0x400, v11;
	v21 =	vld [tilespmem:s22+$0x40];
	[tilespmem:s22+$0xC460] =	vst v26  }
0x153: {  	[tilespmem:s22+$0x8000] =	vst v23;
	v11 =	vnsel vm0, $0x0, v11;
	vm0 =	vgt.f32 v19, $0.0e+00;
	v19 =	vld [tilespmem:s22+$0x8040]  }
0x154: {  	[tilespmem:s22+$0x10010] =	vst v12;
	v12 =	vadd.s32 $0x400, v20;
	v20 =	vld [tilespmem:s22+$0x50]  }
0x155: {  	[tilespmem:s22+$0x8010] =	vst v11;
	v11 =	vnsel vm0, $0x0, v12;
	vm0 =	vgt.f32 v25, $0.0e+00;
	v12 =	vld [tilespmem:s22+$0x8050]  }
0x156: {  	[tilespmem:s22+$0x10020] =	vst v14;
	v14 =	vadd.s32 $0x400, v24;
	v23 =	vld [tilespmem:s22+$0x60]  }
0x157: {  	[tilespmem:s22+$0x8020] =	vst v11;
	v11 =	vnsel vm0, $0x0, v14;
	vm0 =	vgt.f32 v21, $0.0e+00;
	v14 =	vld [tilespmem:s22+$0x8060]  }
0x158: {  	[tilespmem:s22+$0x10030] =	vst v10;
	v10 =	vadd.s32 $0x400, v19;
	v19 =	vld [tilespmem:s22+$0x70]  }
0x159: {  	[tilespmem:s22+$0x8030] =	vst v11;
	v10 =	vnsel vm0, $0x0, v10;
	vm0 =	vgt.f32 v20, $0.0e+00;
	v11 =	vld [tilespmem:s22+$0x8070]  }
0x15a: {  	[tilespmem:s22+$0x10040] =	vst v15;
	v12 =	vadd.s32 $0x400, v12;
	v15 =	vld [tilespmem:s22+$0x400]  }
0x15b: {  	[tilespmem:s22+$0x8040] =	vst v10;
	v10 =	vnsel vm0, $0x0, v12;
	vm0 =	vgt.f32 v23, $0.0e+00;
	v12 =	vld [tilespmem:s22+$0x8400]  }
0x15c: {  	[tilespmem:s22+$0x10050] =	vst v16;
	v14 =	vadd.s32 $0x400, v14;
	v16 =	vld [tilespmem:s22+$0x410]  }
0x15d: {  	[tilespmem:s22+$0x8050] =	vst v10;
	v10 =	vnsel vm0, $0x0, v14;
	vm0 =	vgt.f32 v19, $0.0e+00;
	v19 =	vld [tilespmem:s22+$0x8410]  }
0x15e: {  	[tilespmem:s22+$0x10060] =	vst v17;
	v11 =	vadd.s32 $0x400, v11;
	v17 =	vld [tilespmem:s22+$0x420]  }
0x15f: {  	[tilespmem:s22+$0x8060] =	vst v10;
	v10 =	vnsel vm0, $0x0, v11;
	vm0 =	vgt.f32 v15, $0.0e+00;
	v15 =	vld [tilespmem:s22+$0x8420]  }
0x160: {  	[tilespmem:s22+$0x10070] =	vst v18;
	v11 =	vadd.s32 $0x400, v12;
	v18 =	vld [tilespmem:s22+$0x430]  }
.Ltmp2:
0x161: {  	[tilespmem:s22+$0x8070] =	vst v10;
	v10 =	vnsel vm0, $0x0, v11;
	vm0 =	vgt.f32 v16, $0.0e+00;
	v14 =	vld [tilespmem:s22+$0x8430];
	(pc) =	sbr.rel @p1 .LBB2_6-.Ltmp2, $4  }
0x162: {  	[tilespmem:s22+$0x10400] =	vst v13;
	v12 =	vadd.s32 $0x400, v19;
	v11 =	vld [tilespmem:s22+$0x440]  }
0x163: {  	[tilespmem:s22+$0x8400] =	vst v10;
	v13 =	vnsel vm0, $0x0, v12;
	vm0 =	vgt.f32 v17, $0.0e+00;
	v12 =	vld [tilespmem:s22+$0x8440]  }
0x164: {  	[tilespmem:s22+$0x10410] =	vst v22;
	v15 =	vadd.s32 $0x400, v15;
	v10 =	vld [tilespmem:s22+$0x450]  }
0x165: {  	[tilespmem:s22+$0x8410] =	vst v13;
	v15 =	vnsel vm0, $0x0, v15;
	vm0 =	vgt.f32 v18, $0.0e+00;
	v13 =	vld [tilespmem:s22+$0x8450]  }
0x166: {  	[tilespmem:s22+$0x10420] =	vst v9;
	v9 =	vld [tilespmem:s22+$0x460]  }
0x167: {  	[tilespmem:s22+$0x8420] =	vst v15;
	v15 =	vld [tilespmem:s22+$0x8460]  }
0x168: {  	[tilespmem:s22+$0x10430] =	vst v8;
	v8 =	vld [tilespmem:s22+$0x470]  }
0x169: {  	[tilespmem:s22+$0x10440] =	vst v7;
	vm9 =	vgt.f32 v11, $0.0e+00;
	v11 =	vadd.s32 $0x400, v12;
	v12 =	vld [tilespmem:s22+$0x8470]  }
0x16a: {  	v14 =	vadd.s32 $0x400, v14;
	[tilespmem:s22+$0x10450] =	vst v6  }
0x16b: {  	[tilespmem:s22+$0x10460] =	vst v5;
	v14 =	vnsel vm0, $0x0, v14  }
0x16c: {  	[tilespmem:s22+$0x8430] =	vst v14;
	v11 =	vnsel vm9, $0x0, v11;
	vm10 =	vgt.f32 v10, $0.0e+00;
	v7 =	vadd.s32 $0x400, v13  }
0x16d: {  	[tilespmem:s22+$0x8440] =	vst v11;
	v7 =	vnsel vm10, $0x0, v7;
	vm11 =	vgt.f32 v9, $0.0e+00;
	v6 =	vadd.s32 $0x400, v15  }
0x16e: {  	vm12 =	vgt.f32 v8, $0.0e+00;
	[tilespmem:s22+$0x8450] =	vst v7;
	v6 =	vnsel vm11, $0x0, v6;
	v5 =	vadd.s32 $0x400, v12  }
0x16f: {  	[tilespmem:s22+$0x8460] =	vst v6;
	v5 =	vnsel vm12, $0x0, v5  }
0x170: {  	[tilespmem:s22+$0x8470] =	vst v5;
	s22 =	simm.s32 $0x0  }
0x171: {  	[hbm4b:s6+s22] =	stream.linear.scatter [tilespmem:s18], [sflag:$0x2], $0x4000, $0x38;
	[tilespmem:$0x1C0C0] =	vst v63  }
0x172: {  	_ = 	snop  }
0x173: {  	[hbm4b:s11+s22] =	stream.linear.scatter [tilespmem:s19], [sflag:$0x2], $0x4000, $0x38;
	[tilespmem:$0x1C0C0] =	vst v63  }
0x174: {  	_ =	swait.ge [sflag:s20], $0x4000  }
0x175: {  	[sflag:s20] =	ssyncset.done $0x0  }
0x176: {  	s24 =	simm.s32 $0x0;
	[sflag:s20] =	ssyncadd.s32 $0xFFFFC000  }
0x177: {  	s23 =	sand.u32 $0x3000, s24;
	s25 =	sand.u32 $0x800, s22;
	_ =	swait.ge [sflag:s20], $0x4000  }
0x178: {  	s31 =	sand.u32 $0x380, s22;
	s23 =	sor.u32 s23, s25;
	[sflag:s20] =	ssyncset.done $0x0  }
0x179: {  	s23 =	sor.u32 s31, s23;
	[sflag:s20] =	ssyncadd.s32 $0xFFFFC000  }
0x17a: {  	v5 =	vld [tilespmem:s23+$0x8470]  }
0x17b: {  	v6 =	vld [tilespmem:s23+$0x8000]  }
0x17c: {  	v7 =	vld [tilespmem:s23+$0x8010]  }
0x17d: {  	v8 =	vld [tilespmem:s23+$0x8020]  }
0x17e: {  	v9 =	vld [tilespmem:s23+$0x8030]  }
0x17f: {  	vm13 =	vgt.s32 v5, $0x3FF  }
0x180: {  	vm1 =	vgt.s32 v6, $0x3FF;
	v5 =	vsel vm13, $0x3F800000, v4  }
0x181: {  	vm14 =	vgt.s32 v7, $0x3FF;
	v11 =	vsel vm1, $0x3F800000, v4;
	[tilespmem:s23+$0x10470] =	vst v5  }
0x182: {  	v10 =	vld [tilespmem:s23+$0x8040];
	vm15 =	vgt.s32 v8, $0x3FF;
	v16 =	vsel vm14, $0x3F800000, v4;
	[tilespmem:s23+$0x10000] =	vst v11  }
0x183: {  	v6 =	vld [tilespmem:s23+$0x8050];
	vm4 =	vgt.s32 v9, $0x3FF;
	v17 =	vsel vm15, $0x3F800000, v4;
	[tilespmem:s23+$0x10010] =	vst v16  }
0x184: {  	v9 =	vld [tilespmem:s23+$0x8400];
	v18 =	vsel vm4, $0x3F800000, v4;
	v5 =	vsub.f32 $1.000000000e+00, v5;
	[tilespmem:s23+$0x10020] =	vst v17  }
0x185: {  	v7 =	vld [tilespmem:s23+$0x8060];
	v11 =	vsub.f32 $1.000000000e+00, v11;
	[tilespmem:s23+$0x10030] =	vst v18  }
0x186: {  	v8 =	vld [tilespmem:s23+$0x8070];
	v12 =	vsub.f32 $1.000000000e+00, v16;
	[tilespmem:s23+$0xC470] =	vst v5  }
0x187: {  	vm5 =	vgt.s32 v10, $0x3FF;
	v10 =	vld [tilespmem:s23+$0x8410];
	[tilespmem:s23+$0xC000] =	vst v11;
	v11 =	vsub.f32 $1.000000000e+00, v17  }
0x188: {  	v13 =	vld [tilespmem:s23+$0x8420];
	[tilespmem:s23+$0xC010] =	vst v12;
	v12 =	vsub.f32 $1.000000000e+00, v18;
	v5 =	vsel vm5, $0x3F800000, v4;
	vm6 =	vgt.s32 v6, $0x3FF  }
0x189: {  	v14 =	vld [tilespmem:s23+$0x8430];
	vm9 =	vgt.s32 v9, $0x3FF;
	[tilespmem:s23+$0xC020] =	vst v11;
	v11 =	vsub.f32 $1.000000000e+00, v5;
	v6 =	vsel vm6, $0x3F800000, v4  }
0x18a: {  	v15 =	vld [tilespmem:s23+$0x8440];
	vm7 =	vgt.s32 v7, $0x3FF;
	[tilespmem:s23+$0xC030] =	vst v12;
	v9 =	vsel vm9, $0x3F800000, v4;
	v12 =	vsub.f32 $1.000000000e+00, v6  }
0x18b: {  	v19 =	vld [tilespmem:s23+$0x8450];
	vm8 =	vgt.s32 v8, $0x3FF;
	v7 =	vsel vm7, $0x3F800000, v4;
	v21 =	vsub.f32 $1.000000000e+00, v9;
	[tilespmem:s23+$0xC040] =	vst v11  }
0x18c: {  	v20 =	vld [tilespmem:s23+$0x8460];
	vm10 =	vgt.s32 v10, $0x3FF;
	v8 =	vsel vm8, $0x3F800000, v4;
	v11 =	vsub.f32 $1.000000000e+00, v7;
	[tilespmem:s23+$0xC050] =	vst v12  }
0x18d: {  	vm11 =	vgt.s32 v13, $0x3FF;
	v10 =	vsel vm10, $0x3F800000, v4;
	v12 =	vsub.f32 $1.000000000e+00, v8;
	[tilespmem:s23+$0xC400] =	vst v21  }
0x18e: {  	vm12 =	vgt.s32 v14, $0x3FF;
	v13 =	vsub.f32 $1.000000000e+00, v10;
	[tilespmem:s23+$0xC060] =	vst v11;
	v11 =	vsel vm11, $0x3F800000, v4  }
0x18f: {  	vm13 =	vgt.s32 v15, $0x3FF;
	[tilespmem:s23+$0xC070] =	vst v12;
	v14 =	vsub.f32 $1.000000000e+00, v11;
	v12 =	vsel vm12, $0x3F800000, v4  }
0x190: {  	vm14 =	vgt.s32 v19, $0x3FF;
	[tilespmem:s23+$0xC410] =	vst v13;
	v13 =	vsel vm13, $0x3F800000, v4;
	v15 =	vsub.f32 $1.000000000e+00, v12  }
0x191: {  	vm15 =	vgt.s32 v20, $0x3FF;
	v61 =	vsub.f32 $1.000000000e+00, v13;
	[tilespmem:s23+$0xC420] =	vst v14;
	v14 =	vsel vm14, $0x3F800000, v4  }
0x192: {  	[tilespmem:s23+$0xC430] =	vst v15;
	v62 =	vsub.f32 $1.000000000e+00, v14;
	v15 =	vsel vm15, $0x3F800000, v4  }
0x193: {  	[tilespmem:s23+$0xC440] =	vst v61;
	v63 =	vsub.f32 $1.000000000e+00, v15  }
0x194: {  	[tilespmem:s23+$0xC450] =	vst v62  }
0x195: {  	s25 =	simm.s32 $0x0;
	[tilespmem:s23+$0xC460] =	vst v63  }
.LBB2_8:
0x196: {  	s24 =	sadd.s32 $0x100, s24;
	[tilespmem:s23+$0x10040] =	vst v5;
	s22 =	sadd.s32 $0x800, s22  }
0x197: {  	s25 =	sadd.s32 $0x40, s25;
	s26 =	sand.u32 $0x3000, s24;
	s28 =	sand.u32 $0x800, s22;
	[tilespmem:s23+$0x10050] =	vst v6  }
0x198: {  	p1 =	slt.u32 s24, $0x3F00;
	s26 =	sor.u32 s26, s28;
	s28 =	sand.u32 $0x380, s25;
	[tilespmem:s23+$0x10060] =	vst v7  }
0x199: {  	s26 =	sor.u32 s28, s26;
	[tilespmem:s23+$0x10070] =	vst v8  }
0x19a: {  	v5 =	vld [tilespmem:s26+$0x8470];
	[tilespmem:s23+$0x10400] =	vst v9  }
0x19b: {  	v6 =	vld [tilespmem:s26+$0x8000];
	[tilespmem:s23+$0x10410] =	vst v10  }
0x19c: {  	v7 =	vld [tilespmem:s26+$0x8010];
	[tilespmem:s23+$0x10420] =	vst v11  }
0x19d: {  	v8 =	vld [tilespmem:s26+$0x8020];
	[tilespmem:s23+$0x10430] =	vst v12  }
0x19e: {  	v9 =	vld [tilespmem:s26+$0x8030];
	[tilespmem:s23+$0x10440] =	vst v13  }
0x19f: {  	v10 =	vld [tilespmem:s26+$0x8040];
	vm0 =	vgt.s32 v5, $0x3FF;
	[tilespmem:s23+$0x10450] =	vst v14  }
0x1a0: {  	vm1 =	vgt.s32 v6, $0x3FF;
	v6 =	vld [tilespmem:s26+$0x8050];
	v5 =	vsel vm0, $0x3F800000, v4;
	[tilespmem:s23+$0x10460] =	vst v15;
	s23 =	smov.u32 s26  }
0x1a1: {  	v11 =	vsel vm1, $0x3F800000, v4;
	vm0 =	vgt.s32 v7, $0x3FF;
	v7 =	vld [tilespmem:s23+$0x8060];
	[tilespmem:s23+$0x10470] =	vst v5;
	v5 =	vsub.f32 $1.000000000e+00, v5  }
0x1a2: {  	[tilespmem:s23+$0x10000] =	vst v11;
	v11 =	vsub.f32 $1.000000000e+00, v11;
	v16 =	vsel vm0, $0x3F800000, v4;
	vm0 =	vgt.s32 v8, $0x3FF;
	v8 =	vld [tilespmem:s23+$0x8070]  }
0x1a3: {  	v12 =	vsub.f32 $1.000000000e+00, v16;
	v17 =	vsel vm0, $0x3F800000, v4;
	vm0 =	vgt.s32 v9, $0x3FF;
	v9 =	vld [tilespmem:s23+$0x8400];
	[tilespmem:s23+$0xC470] =	vst v5  }
0x1a4: {  	[tilespmem:s23+$0xC000] =	vst v11;
	v11 =	vsub.f32 $1.000000000e+00, v17;
	v18 =	vsel vm0, $0x3F800000, v4;
	vm0 =	vgt.s32 v10, $0x3FF;
	v10 =	vld [tilespmem:s23+$0x8410]  }
0x1a5: {  	[tilespmem:s23+$0xC010] =	vst v12;
	v12 =	vsub.f32 $1.000000000e+00, v18;
	v5 =	vsel vm0, $0x3F800000, v4;
	vm0 =	vgt.s32 v6, $0x3FF;
	v13 =	vld [tilespmem:s23+$0x8420]  }
0x1a6: {  	[tilespmem:s23+$0xC020] =	vst v11;
	v11 =	vsub.f32 $1.000000000e+00, v5;
	v6 =	vsel vm0, $0x3F800000, v4;
	vm0 =	vgt.s32 v7, $0x3FF;
	v14 =	vld [tilespmem:s23+$0x8430]  }
0x1a7: {  	[tilespmem:s23+$0xC030] =	vst v12;
	v12 =	vsub.f32 $1.000000000e+00, v6;
	v7 =	vsel vm0, $0x3F800000, v4;
	vm0 =	vgt.s32 v8, $0x3FF;
	v15 =	vld [tilespmem:s23+$0x8440]  }
0x1a8: {  	[tilespmem:s23+$0xC040] =	vst v11;
	v11 =	vsub.f32 $1.000000000e+00, v7;
	v8 =	vsel vm0, $0x3F800000, v4;
	vm0 =	vgt.s32 v9, $0x3FF;
	v19 =	vld [tilespmem:s23+$0x8450]  }
0x1a9: {  	[tilespmem:s23+$0xC050] =	vst v12;
	v12 =	vsub.f32 $1.000000000e+00, v8;
	v9 =	vsel vm0, $0x3F800000, v4;
	vm0 =	vgt.s32 v10, $0x3FF;
	v20 =	vld [tilespmem:s23+$0x8460]  }
0x1aa: {  	[tilespmem:s23+$0xC060] =	vst v11;
	v21 =	vsub.f32 $1.000000000e+00, v9;
	v10 =	vsel vm0, $0x3F800000, v4;
	vm0 =	vgt.s32 v13, $0x3FF  }
0x1ab: {  	[tilespmem:s23+$0xC070] =	vst v12;
	v13 =	vsub.f32 $1.000000000e+00, v10;
	v11 =	vsel vm0, $0x3F800000, v4;
	vm0 =	vgt.s32 v14, $0x3FF  }
0x1ac: {  	[tilespmem:s23+$0xC400] =	vst v21;
	v14 =	vsub.f32 $1.000000000e+00, v11;
	v12 =	vsel vm0, $0x3F800000, v4;
	vm0 =	vgt.s32 v15, $0x3FF  }
0x1ad: {  	[tilespmem:s23+$0xC410] =	vst v13;
	v15 =	vsub.f32 $1.000000000e+00, v12;
	v13 =	vsel vm0, $0x3F800000, v4;
	vm0 =	vgt.s32 v19, $0x3FF  }
0x1ae: {  	[tilespmem:s23+$0xC420] =	vst v14;
	v19 =	vsub.f32 $1.000000000e+00, v13;
	v14 =	vsel vm0, $0x3F800000, v4;
	vm0 =	vgt.s32 v20, $0x3FF  }
0x1af: {  	[tilespmem:s23+$0xC430] =	vst v15;
	v20 =	vsub.f32 $1.000000000e+00, v14;
	v15 =	vsel vm0, $0x3F800000, v4  }
0x1b0: {  	[tilespmem:s23+$0xC440] =	vst v19;
	v19 =	vsub.f32 $1.000000000e+00, v15  }
.Ltmp3:
0x1b1: {  	[tilespmem:s23+$0xC450] =	vst v20;
	(pc) =	sbr.rel @p1 .LBB2_8-.Ltmp3, $4  }
0x1b2: {  	[tilespmem:s23+$0xC460] =	vst v19  }
0x1b3: {  	[tilespmem:s23+$0x10010] =	vst v16  }
0x1b4: {  	[tilespmem:s23+$0x10020] =	vst v17  }
0x1b5: {  	[tilespmem:s23+$0x10030] =	vst v18  }
0x1b6: {  	[tilespmem:s23+$0x10040] =	vst v5  }
0x1b7: {  	[tilespmem:s23+$0x10050] =	vst v6  }
0x1b8: {  	[tilespmem:s23+$0x10060] =	vst v7  }
0x1b9: {  	[tilespmem:s23+$0x10070] =	vst v8  }
0x1ba: {  	[tilespmem:s23+$0x10400] =	vst v9  }
0x1bb: {  	[tilespmem:s23+$0x10410] =	vst v10  }
0x1bc: {  	[tilespmem:s23+$0x10420] =	vst v11  }
0x1bd: {  	[tilespmem:s23+$0x10430] =	vst v12  }
0x1be: {  	[tilespmem:s23+$0x10440] =	vst v13  }
0x1bf: {  	[tilespmem:s23+$0x10450] =	vst v14  }
0x1c0: {  	[tilespmem:s23+$0x10460] =	vst v15  }
0x1c1: {  	[hbm4b:s7+s2] =	stream.linear.scatter [tilespmem:s18], [sflag:$0x2], $0x4000, $0x38;
	[tilespmem:$0x1C0C0] =	vst v63  }
0x1c2: {  	_ = 	snop  }
0x1c3: {  	[hbm4b:s12+s2] =	stream.linear.scatter [tilespmem:s19], [sflag:$0x2], $0x4000, $0x38;
	[tilespmem:$0x1C0C0] =	vst v63  }
0x1c4: {  	_ =	swait.ge [sflag:s20], $0x4000  }
0x1c5: {  	[sflag:s20] =	ssyncset.done $0x0  }
0x1c6: {  	[sflag:s20] =	ssyncadd.s32 $0xFFFFC000  }
0x1c7: {  	_ =	swait.ge [sflag:s20], $0x4000  }
0x1c8: {  	[sflag:s20] =	ssyncset.done $0x0  }
0x1c9: {  	s21 =	sadd.s32 $0x1, s21;
	[sflag:s20] =	ssyncadd.s32 $0xFFFFC000  }
0x1ca: {  	p1 =	sne.s32 s21, s13;
	_ =	swait.ge [sflag:s20], $0x4000  }
.Ltmp4:
0x1cb: {  	[sflag:s20] =	ssyncset.done $0x0;
	(pc) =	sbr.rel @p1 .LBB2_1-.Ltmp4, $4  }
0x1cc: {  	[sflag:s20] =	ssyncadd.s32 $0xFFFFC000  }
0x1cd: {  	_ =	swait.ge [sflag:s20], $0x4000  }
0x1ce: {  	[sflag:s20] =	ssyncset.done $0x0  }
0x1cf: {  	[sflag:s20] =	ssyncadd.s32 $0xFFFFC000  }
0x1d0: {  	_ =	sfence.sel $0x180000  }
0x1d1: {  	[bflag:$0x0] =	sbarrier.arrive $0xFFFF  }
0x1d2: {  	_ =	strace $0x90000047  }
0x1d3: {  	s0 =	sadd.s32 @!p0 $0x100000, s0;
	[bflag:$0x2] =	sbarrier.arrive $0xFFFF  }
0x1d4: {  	[sflag:s0] =	ssyncadd.tile.s32 @!p0 $0x1;
	_ =	shalt  }
.Lfunc_end2:
_tile_overlayer_lowered:
.L_overlay_start_2:
0x1d5: {  	(tag) =	ssettag $0x2  }
0x1d6: {  	s0 =	rddreg [dreg:$0x0];
	s2 =	stileid.u32  }
0x1d7: {  	s1 =	rddreg [dreg:$0x1];
	p0 =	sne.s32 s2, $0x0  }
0x1d8: {  	s3 =	rddreg [dreg:$0x2];
	[bflag:$0x3] =	sbarrier.arrive $0xFFFF;
	s2 =	simm.s32 @!p0 $0x1C03  }
0x1d9: {  	[timem:s3], [sflag:s2] =	dma.local @!p0 [hbm:s0], s1  }
0x1da: {  	s0 =	simm.s32 @!p0 $0x3  }
0x1db: {  	_ =	swait.ge @!p0 [sflag:s0], s1  }
0x1dc: {  	s1 =	ssub.s32 @!p0 $0x0, s1;
	[sflag:s0] =	ssyncset.done @!p0 $0x0  }
0x1dd: {  	[sflag:s0] =	ssyncadd.s32 @!p0 s1  }
0x1de: {  	[bflag:$0x3] =	sbarrier.arrive $0xFFFF  }
0x1df: {  	_ =	shalt  }

</sc_bundles>
